<compile_context>
chip_gen: v7x
topology: tpu7x:2x2x1
jax: 0.10.2.dev20260603
libtpu: 0.0.44.dev20260713+nightly
codegen_flags: <defaults>
</compile_context>

<pallas_src>
import functools
import math

import jax
import jax.numpy as jnp
from jax import lax
from jax.experimental import pallas as pl
from jax.experimental.pallas import tpu as pltpu
from jax.experimental.pallas import tpu_sc as plsc

_SCALE = math.sqrt(1024.0)
_D = 1024
_NW = 32
_ROWS = 4 * 8192
_ROWS_PER_W = _ROWS // _NW
_SEQ = 8192
_CHUNK_ROWS = 16
_CHUNK = _CHUNK_ROWS * _D
_NCHUNK = _ROWS_PER_W // _CHUNK_ROWS
_UNROLL = 8
_VECS = _CHUNK // 16


def _sc_body(x_hbm, pw_hbm, out_hbm,
             xv0, pv0, xv1, pv1, sx0, sp0, sx1, sp1):
    wid = lax.axis_index("s") * 2 + lax.axis_index("c")
    base = wid * (_ROWS_PER_W * _D)
    pw_base = (wid % (_SEQ // _ROWS_PER_W)) * (_ROWS_PER_W * _D)

    xv = (xv0, xv1)
    pv = (pv0, pv1)
    sx = (sx0, sx1)
    sp = (sp0, sp1)

    def load(i, b):
        pltpu.async_copy(x_hbm.at[pl.ds(base + i * _CHUNK, _CHUNK)], xv[b], sx[b])
        pltpu.async_copy(pw_hbm.at[pl.ds(pw_base + i * _CHUNK, _CHUNK)], pv[b], sp[b])

    def wait(i, b):
        pltpu.make_async_copy(x_hbm.at[pl.ds(base + i * _CHUNK, _CHUNK)], xv[b], sx[b]).wait()
        pltpu.make_async_copy(pw_hbm.at[pl.ds(pw_base + i * _CHUNK, _CHUNK)], pv[b], sp[b]).wait()

    load(0, 0)

    def chunk_pair(g, carry):
        for b in range(2):
            i = 2 * g + b
            nb = 1 - b

            @pl.when(i + 1 < _NCHUNK)
            def _():
                load(i + 1, nb)

            wait(i, b)

            def compute(j, c):
                for u in range(_UNROLL):
                    sl = pl.ds((j * _UNROLL + u) * 16, 16)
                    xv[b][sl] = xv[b][sl] * _SCALE + pv[b][sl]
                return c

            lax.fori_loop(0, _VECS // _UNROLL, compute, 0)
            pltpu.sync_copy(xv[b], out_hbm.at[pl.ds(base + i * _CHUNK, _CHUNK)])
        return carry

    lax.fori_loop(0, _NCHUNK // 2, chunk_pair, 0)


def kernel(x, pos_weight):
    batch, seq_len, d_model = x.shape
    x_flat = x.reshape(batch * seq_len * d_model)
    pw_flat = pos_weight.reshape(seq_len * d_model)
    mesh = plsc.VectorSubcoreMesh(core_axis_name="c", subcore_axis_name="s")
    run = functools.partial(
        pl.kernel,
        mesh=mesh,
        out_type=jax.ShapeDtypeStruct((batch * seq_len * d_model,), x.dtype),
        scratch_types=[
            pltpu.VMEM((_CHUNK,), jnp.float32),
            pltpu.VMEM((_CHUNK,), jnp.float32),
            pltpu.VMEM((_CHUNK,), jnp.float32),
            pltpu.VMEM((_CHUNK,), jnp.float32),
            pltpu.SemaphoreType.DMA,
            pltpu.SemaphoreType.DMA,
            pltpu.SemaphoreType.DMA,
            pltpu.SemaphoreType.DMA,
        ],
    )(_sc_body)
    out_flat = run(x_flat, pw_flat)
    return out_flat.reshape(batch, seq_len, d_model)

# --- scband reference (transcript-rebuilt; emitter-appended) ---
"""Pipeline reference for scband-learned-positional-encoding-49177375539809 (READ-ONLY COPY).

The authoritative reference and input builder live on the scoring server;
editing this copy changes nothing except your own understanding.
"""

import jax, jax.numpy as jnp
import numpy as np
import math

D_MODEL = 1024
MAX_LEN = 8192

def setup_inputs(seed: int = 0) -> dict:
    key = jax.random.key(seed)
    k1, k2 = jax.random.split(key)
    x = jax.random.normal(k1, (4, 8192, D_MODEL), dtype=jnp.float32)
    pos_weight = jax.random.normal(k2, (MAX_LEN, D_MODEL), dtype=jnp.float32) * 0.02
    return {"x": x, "pos_weight": pos_weight}

def reference(x, pos_weight):
    batch_size, seq_len, d_model = x.shape
    positions = jnp.arange(seq_len)
    positions = jnp.broadcast_to(positions[None, :], (batch_size, seq_len))
    pos_embed = jnp.take(pos_weight, positions, axis=0)
    x = x * math.sqrt(d_model)
    x = x + pos_embed
    # dropout p=0.0 -> identity (eval mode)
    return x

if __name__ == "__main__":
    import jax
    _d = setup_inputs()
    print(jax.jit(kernel)(*tuple(_d.values())))

</pallas_src>

<mosaic_0001>
#map = affine_map<(d0, d1) -> (0)>
module attributes {stable_mosaic.version = 14 : i64} {
  func.func @_sc_body(%arg0: i32, %arg1: i32, %arg2: memref<33554432xf32, #tpu.memory_space<hbm>>, %arg3: memref<8388608xf32, #tpu.memory_space<hbm>>, %arg4: memref<33554432xf32, #tpu.memory_space<hbm>>, %arg5: memref<16384xf32, #tpu.memory_space<vmem>>, %arg6: memref<16384xf32, #tpu.memory_space<vmem>>, %arg7: memref<16384xf32, #tpu.memory_space<vmem>>, %arg8: memref<16384xf32, #tpu.memory_space<vmem>>, %arg9: memref<!tpu.dma_semaphore, #tpu.memory_space<semaphore_mem>>, %arg10: memref<!tpu.dma_semaphore, #tpu.memory_space<semaphore_mem>>, %arg11: memref<!tpu.dma_semaphore, #tpu.memory_space<semaphore_mem>>, %arg12: memref<!tpu.dma_semaphore, #tpu.memory_space<semaphore_mem>>) attributes {dimension_semantics = [#tpu.dimension_semantics<core_parallel>, #tpu.dimension_semantics<subcore_parallel>], iteration_bounds = array<i64: 2, 16>, scalar_prefetch = 0 : i64, scratch_operands = 8 : i64, tpu.core_type = #tpu.core_type<sc_vector_subcore>, window_params = [{transform_indices = #map}, {transform_indices = #map}, {transform_indices = #map}]} {
    %mul3A = arith.constant 2 : i32
    %mul3A_0 = arith.muli %arg1, %mul3A : i32
    %add3A = arith.addi %mul3A_0, %arg0 : i32
    %mul3A_1 = arith.constant 1048576 : i32
    %mul3A_2 = arith.muli %add3A, %mul3A_1 : i32
    %jit3A = arith.constant 8 : i32
    %eq3A = arith.constant 0 : i32
    %eq3A_3 = arith.cmpi eq, %jit3A, %eq3A : i32
    %jit3A_4 = arith.constant 1 : i32
    %select_n3A = arith.select %eq3A_3, %jit3A_4, %jit3A : i32
    %rem3A = arith.remsi %add3A, %select_n3A : i32
    %ne3A = arith.constant 0 : i32
    %ne3A_5 = arith.cmpi ne, %rem3A, %ne3A : i32
    %lt3A = arith.constant 0 : i32
    %lt3A_6 = arith.cmpi slt, %rem3A, %lt3A : i32
    %lt3A_7 = arith.constant 0 : i32
    %lt3A_8 = arith.cmpi slt, %select_n3A, %lt3A_7 : i32
    %ne3A_9 = arith.xori %lt3A_6, %lt3A_8 : i1
    %and3A = arith.andi %ne3A_9, %ne3A_5 : i1
    %add3A_10 = arith.addi %rem3A, %select_n3A : i32
    %select_n3A_11 = arith.select %and3A, %add3A_10, %rem3A : i32
    %mul3A_12 = arith.constant 1048576 : i32
    %mul3A_13 = arith.muli %select_n3A_11, %mul3A_12 : i32
    %add3A_14 = arith.constant 0 : i32
    %add3A_15 = arith.addi %mul3A_2, %add3A_14 : i32
    %dma_start3A = tpu.memref_slice %arg2[%add3A_15] : memref<33554432xf32, #tpu.memory_space<hbm>> -> memref<16384xf32, #tpu.memory_space<hbm>>
    %dma_start3A_16 = tpu.memref_slice %arg2[%add3A_15] : memref<33554432xf32, #tpu.memory_space<hbm>> -> memref<16384xf32, #tpu.memory_space<hbm>>
    tpu.enqueue_dma source(%dma_start3A_16 : memref<16384xf32, #tpu.memory_space<hbm>>) target(%arg5 : memref<16384xf32, #tpu.memory_space<vmem>>) target_semaphore(%arg9 : memref<!tpu.dma_semaphore, #tpu.memory_space<semaphore_mem>>)
    %add3A_17 = arith.constant 0 : i32
    %add3A_18 = arith.addi %mul3A_13, %add3A_17 : i32
    %dma_start3A_19 = tpu.memref_slice %arg3[%add3A_18] : memref<8388608xf32, #tpu.memory_space<hbm>> -> memref<16384xf32, #tpu.memory_space<hbm>>
    %dma_start3A_20 = tpu.memref_slice %arg3[%add3A_18] : memref<8388608xf32, #tpu.memory_space<hbm>> -> memref<16384xf32, #tpu.memory_space<hbm>>
    tpu.enqueue_dma source(%dma_start3A_20 : memref<16384xf32, #tpu.memory_space<hbm>>) target(%arg6 : memref<16384xf32, #tpu.memory_space<vmem>>) target_semaphore(%arg10 : memref<!tpu.dma_semaphore, #tpu.memory_space<semaphore_mem>>)
    %scan3A = arith.constant 0 : i32
    %scan3A_21 = arith.constant 0 : i32
    %scan3A_22 = arith.constant 32 : i32
    %scan3A_23 = arith.addi %scan3A_21, %scan3A_22 : i32
    %scan3A_24 = arith.constant 1 : i32
    scf.for %scan3A_26 = %scan3A_21 to %scan3A_23 step %scan3A_24  : i32 {
      %mul3A_27 = arith.constant 2 : i32
      %mul3A_28 = arith.muli %mul3A_27, %scan3A_26 : i32
      %add3A_29 = arith.constant 0 : i32
      %add3A_30 = arith.addi %mul3A_28, %add3A_29 : i32
      %add3A_31 = arith.constant 1 : i32
      %add3A_32 = arith.addi %add3A_30, %add3A_31 : i32
      %lt3A_33 = arith.constant 64 : i32
      %lt3A_34 = arith.cmpi slt, %add3A_32, %lt3A_33 : i32
      %convert_element_type3A = arith.extui %lt3A_34 : i1 to i32
      %cond3A = arith.constant 0 : i32
      %cond3A_35 = arith.cmpi ne, %convert_element_type3A, %cond3A : i32
      scf.if %cond3A_35 {
        %add3A_84 = arith.constant 1 : i32
        %add3A_85 = arith.addi %add3A_30, %add3A_84 : i32
        %mul3A_86 = arith.constant 16384 : i32
        %mul3A_87 = arith.muli %add3A_85, %mul3A_86 : i32
        %add3A_88 = arith.addi %mul3A_2, %mul3A_87 : i32
        %dma_start3A_89 = tpu.memref_slice %arg2[%add3A_88] : memref<33554432xf32, #tpu.memory_space<hbm>> -> memref<16384xf32, #tpu.memory_space<hbm>>
        %dma_start3A_90 = tpu.memref_slice %arg2[%add3A_88] : memref<33554432xf32, #tpu.memory_space<hbm>> -> memref<16384xf32, #tpu.memory_space<hbm>>
        tpu.enqueue_dma source(%dma_start3A_90 : memref<16384xf32, #tpu.memory_space<hbm>>) target(%arg7 : memref<16384xf32, #tpu.memory_space<vmem>>) target_semaphore(%arg11 : memref<!tpu.dma_semaphore, #tpu.memory_space<semaphore_mem>>)
        %mul3A_91 = arith.constant 16384 : i32
        %mul3A_92 = arith.muli %add3A_85, %mul3A_91 : i32
        %add3A_93 = arith.addi %mul3A_13, %mul3A_92 : i32
        %dma_start3A_94 = tpu.memref_slice %arg3[%add3A_93] : memref<8388608xf32, #tpu.memory_space<hbm>> -> memref<16384xf32, #tpu.memory_space<hbm>>
        %dma_start3A_95 = tpu.memref_slice %arg3[%add3A_93] : memref<8388608xf32, #tpu.memory_space<hbm>> -> memref<16384xf32, #tpu.memory_space<hbm>>
        tpu.enqueue_dma source(%dma_start3A_95 : memref<16384xf32, #tpu.memory_space<hbm>>) target(%arg8 : memref<16384xf32, #tpu.memory_space<vmem>>) target_semaphore(%arg12 : memref<!tpu.dma_semaphore, #tpu.memory_space<semaphore_mem>>)
      } else {
      }
      %mul3A_36 = arith.constant 16384 : i32
      %mul3A_37 = arith.muli %add3A_30, %mul3A_36 : i32
      %add3A_38 = arith.addi %mul3A_2, %mul3A_37 : i32
      %dma_wait3A = tpu.memref_slice %arg2[%add3A_38] : memref<33554432xf32, #tpu.memory_space<hbm>> -> memref<16384xf32, #tpu.memory_space<hbm>>
      %dma_wait3A_39 = tpu.memref_slice %arg2[%add3A_38] : memref<33554432xf32, #tpu.memory_space<hbm>> -> memref<16384xf32, #tpu.memory_space<hbm>>
      tpu.wait_dma2 semaphore(%arg9 : memref<!tpu.dma_semaphore, #tpu.memory_space<semaphore_mem>>) src(%dma_wait3A_39 : memref<16384xf32, #tpu.memory_space<hbm>>) dst(%arg5 : memref<16384xf32, #tpu.memory_space<vmem>>)
      %mul3A_40 = arith.constant 16384 : i32
      %mul3A_41 = arith.muli %add3A_30, %mul3A_40 : i32
      %add3A_42 = arith.addi %mul3A_13, %mul3A_41 : i32
      %dma_wait3A_43 = tpu.memref_slice %arg3[%add3A_42] : memref<8388608xf32, #tpu.memory_space<hbm>> -> memref<16384xf32, #tpu.memory_space<hbm>>
      %dma_wait3A_44 = tpu.memref_slice %arg3[%add3A_42] : memref<8388608xf32, #tpu.memory_space<hbm>> -> memref<16384xf32, #tpu.memory_space<hbm>>
      tpu.wait_dma2 semaphore(%arg10 : memref<!tpu.dma_semaphore, #tpu.memory_space<semaphore_mem>>) src(%dma_wait3A_44 : memref<16384xf32, #tpu.memory_space<hbm>>) dst(%arg6 : memref<16384xf32, #tpu.memory_space<vmem>>)
      %scan3A_45 = arith.constant 0 : i32
      %scan3A_46 = arith.constant 0 : i32
      %scan3A_47 = arith.constant 128 : i32
      %scan3A_48 = arith.addi %scan3A_46, %scan3A_47 : i32
      %scan3A_49 = arith.constant 1 : i32
      scf.for %scan3A_84 = %scan3A_46 to %scan3A_48 step %scan3A_49  : i32 {
        %mul3A_85 = arith.constant 8 : i32
        %mul3A_86 = arith.muli %scan3A_84, %mul3A_85 : i32
        %add3A_87 = arith.constant 0 : i32
        %add3A_88 = arith.addi %mul3A_86, %add3A_87 : i32
        %mul3A_89 = arith.constant 16 : i32
        %mul3A_90 = arith.muli %add3A_88, %mul3A_89 : i32
        %get3A = arith.index_cast %mul3A_90 : i32 to index
        %get3A_91 = tpu.vector_load %arg5[%get3A] {strides = array<i32>} : memref<16384xf32, #tpu.memory_space<vmem>>, vector<16xf32>,
        %get3A_92 = vector.shape_cast %get3A_91 : vector<16xf32> to vector<16xf32>
        %mul3A_93 = arith.constant 3.200000e+01 : f32
        %mul3A_94 = vector.broadcast %mul3A_93 : f32 to vector<16xf32>
        %mul3A_95 = arith.mulf %get3A_92, %mul3A_94 : vector<16xf32>
        %get3A_96 = arith.index_cast %mul3A_90 : i32 to index
        %get3A_97 = tpu.vector_load %arg6[%get3A_96] {strides = array<i32>} : memref<16384xf32, #tpu.memory_space<vmem>>, vector<16xf32>,
        %get3A_98 = vector.shape_cast %get3A_97 : vector<16xf32> to vector<16xf32>
        %add3A_99 = arith.addf %mul3A_95, %get3A_98 : vector<16xf32>
        %swap3A = arith.index_cast %mul3A_90 : i32 to index
        %swap3A_100 = tpu.vector_load %arg5[%swap3A] {strides = array<i32>} : memref<16384xf32, #tpu.memory_space<vmem>>, vector<16xf32>,
        %swap3A_101 = vector.shape_cast %swap3A_100 : vector<16xf32> to vector<16xf32>
        %swap3A_102 = vector.shape_cast %add3A_99 : vector<16xf32> to vector<16xf32>
        tpu.vector_store %arg5[%swap3A], %swap3A_102 {strides = array<i32>} : memref<16384xf32, #tpu.memory_space<vmem>>, vector<16xf32>,
        %mul3A_103 = arith.constant 8 : i32
        %mul3A_104 = arith.muli %scan3A_84, %mul3A_103 : i32
        %add3A_105 = arith.constant 1 : i32
        %add3A_106 = arith.addi %mul3A_104, %add3A_105 : i32
        %mul3A_107 = arith.constant 16 : i32
        %mul3A_108 = arith.muli %add3A_106, %mul3A_107 : i32
        %get3A_109 = arith.index_cast %mul3A_108 : i32 to index
        %get3A_110 = tpu.vector_load %arg5[%get3A_109] {strides = array<i32>} : memref<16384xf32, #tpu.memory_space<vmem>>, vector<16xf32>,
        %get3A_111 = vector.shape_cast %get3A_110 : vector<16xf32> to vector<16xf32>
        %mul3A_112 = arith.constant 3.200000e+01 : f32
        %mul3A_113 = vector.broadcast %mul3A_112 : f32 to vector<16xf32>
        %mul3A_114 = arith.mulf %get3A_111, %mul3A_113 : vector<16xf32>
        %get3A_115 = arith.index_cast %mul3A_108 : i32 to index
        %get3A_116 = tpu.vector_load %arg6[%get3A_115] {strides = array<i32>} : memref<16384xf32, #tpu.memory_space<vmem>>, vector<16xf32>,
        %get3A_117 = vector.shape_cast %get3A_116 : vector<16xf32> to vector<16xf32>
        %add3A_118 = arith.addf %mul3A_114, %get3A_117 : vector<16xf32>
        %swap3A_119 = arith.index_cast %mul3A_108 : i32 to index
        %swap3A_120 = tpu.vector_load %arg5[%swap3A_119] {strides = array<i32>} : memref<16384xf32, #tpu.memory_space<vmem>>, vector<16xf32>,
        %swap3A_121 = vector.shape_cast %swap3A_120 : vector<16xf32> to vector<16xf32>
        %swap3A_122 = vector.shape_cast %add3A_118 : vector<16xf32> to vector<16xf32>
        tpu.vector_store %arg5[%swap3A_119], %swap3A_122 {strides = array<i32>} : memref<16384xf32, #tpu.memory_space<vmem>>, vector<16xf32>,
        %mul3A_123 = arith.constant 8 : i32
        %mul3A_124 = arith.muli %scan3A_84, %mul3A_123 : i32
        %add3A_125 = arith.constant 2 : i32
        %add3A_126 = arith.addi %mul3A_124, %add3A_125 : i32
        %mul3A_127 = arith.constant 16 : i32
        %mul3A_128 = arith.muli %add3A_126, %mul3A_127 : i32
        %get3A_129 = arith.index_cast %mul3A_128 : i32 to index
        %get3A_130 = tpu.vector_load %arg5[%get3A_129] {strides = array<i32>} : memref<16384xf32, #tpu.memory_space<vmem>>, vector<16xf32>,
        %get3A_131 = vector.shape_cast %get3A_130 : vector<16xf32> to vector<16xf32>
        %mul3A_132 = arith.constant 3.200000e+01 : f32
        %mul3A_133 = vector.broadcast %mul3A_132 : f32 to vector<16xf32>
        %mul3A_134 = arith.mulf %get3A_131, %mul3A_133 : vector<16xf32>
        %get3A_135 = arith.index_cast %mul3A_128 : i32 to index
        %get3A_136 = tpu.vector_load %arg6[%get3A_135] {strides = array<i32>} : memref<16384xf32, #tpu.memory_space<vmem>>, vector<16xf32>,
        %get3A_137 = vector.shape_cast %get3A_136 : vector<16xf32> to vector<16xf32>
        %add3A_138 = arith.addf %mul3A_134, %get3A_137 : vector<16xf32>
        %swap3A_139 = arith.index_cast %mul3A_128 : i32 to index
        %swap3A_140 = tpu.vector_load %arg5[%swap3A_139] {strides = array<i32>} : memref<16384xf32, #tpu.memory_space<vmem>>, vector<16xf32>,
        %swap3A_141 = vector.shape_cast %swap3A_140 : vector<16xf32> to vector<16xf32>
        %swap3A_142 = vector.shape_cast %add3A_138 : vector<16xf32> to vector<16xf32>
        tpu.vector_store %arg5[%swap3A_139], %swap3A_142 {strides = array<i32>} : memref<16384xf32, #tpu.memory_space<vmem>>, vector<16xf32>,
        %mul3A_143 = arith.constant 8 : i32
        %mul3A_144 = arith.muli %scan3A_84, %mul3A_143 : i32
        %add3A_145 = arith.constant 3 : i32
        %add3A_146 = arith.addi %mul3A_144, %add3A_145 : i32
        %mul3A_147 = arith.constant 16 : i32
        %mul3A_148 = arith.muli %add3A_146, %mul3A_147 : i32
        %get3A_149 = arith.index_cast %mul3A_148 : i32 to index
        %get3A_150 = tpu.vector_load %arg5[%get3A_149] {strides = array<i32>} : memref<16384xf32, #tpu.memory_space<vmem>>, vector<16xf32>,
        %get3A_151 = vector.shape_cast %get3A_150 : vector<16xf32> to vector<16xf32>
        %mul3A_152 = arith.constant 3.200000e+01 : f32
        %mul3A_153 = vector.broadcast %mul3A_152 : f32 to vector<16xf32>
        %mul3A_154 = arith.mulf %get3A_151, %mul3A_153 : vector<16xf32>
        %get3A_155 = arith.index_cast %mul3A_148 : i32 to index
        %get3A_156 = tpu.vector_load %arg6[%get3A_155] {strides = array<i32>} : memref<16384xf32, #tpu.memory_space<vmem>>, vector<16xf32>,
        %get3A_157 = vector.shape_cast %get3A_156 : vector<16xf32> to vector<16xf32>
        %add3A_158 = arith.addf %mul3A_154, %get3A_157 : vector<16xf32>
        %swap3A_159 = arith.index_cast %mul3A_148 : i32 to index
        %swap3A_160 = tpu.vector_load %arg5[%swap3A_159] {strides = array<i32>} : memref<16384xf32, #tpu.memory_space<vmem>>, vector<16xf32>,
        %swap3A_161 = vector.shape_cast %swap3A_160 : vector<16xf32> to vector<16xf32>
        %swap3A_162 = vector.shape_cast %add3A_158 : vector<16xf32> to vector<16xf32>
        tpu.vector_store %arg5[%swap3A_159], %swap3A_162 {strides = array<i32>} : memref<16384xf32, #tpu.memory_space<vmem>>, vector<16xf32>,
        %mul3A_163 = arith.constant 8 : i32
        %mul3A_164 = arith.muli %scan3A_84, %mul3A_163 : i32
        %add3A_165 = arith.constant 4 : i32
        %add3A_166 = arith.addi %mul3A_164, %add3A_165 : i32
        %mul3A_167 = arith.constant 16 : i32
        %mul3A_168 = arith.muli %add3A_166, %mul3A_167 : i32
        %get3A_169 = arith.index_cast %mul3A_168 : i32 to index
        %get3A_170 = tpu.vector_load %arg5[%get3A_169] {strides = array<i32>} : memref<16384xf32, #tpu.memory_space<vmem>>, vector<16xf32>,
        %get3A_171 = vector.shape_cast %get3A_170 : vector<16xf32> to vector<16xf32>
        %mul3A_172 = arith.constant 3.200000e+01 : f32
        %mul3A_173 = vector.broadcast %mul3A_172 : f32 to vector<16xf32>
        %mul3A_174 = arith.mulf %get3A_171, %mul3A_173 : vector<16xf32>
        %get3A_175 = arith.index_cast %mul3A_168 : i32 to index
        %get3A_176 = tpu.vector_load %arg6[%get3A_175] {strides = array<i32>} : memref<16384xf32, #tpu.memory_space<vmem>>, vector<16xf32>,
        %get3A_177 = vector.shape_cast %get3A_176 : vector<16xf32> to vector<16xf32>
        %add3A_178 = arith.addf %mul3A_174, %get3A_177 : vector<16xf32>
        %swap3A_179 = arith.index_cast %mul3A_168 : i32 to index
        %swap3A_180 = tpu.vector_load %arg5[%swap3A_179] {strides = array<i32>} : memref<16384xf32, #tpu.memory_space<vmem>>, vector<16xf32>,
        %swap3A_181 = vector.shape_cast %swap3A_180 : vector<16xf32> to vector<16xf32>
        %swap3A_182 = vector.shape_cast %add3A_178 : vector<16xf32> to vector<16xf32>
        tpu.vector_store %arg5[%swap3A_179], %swap3A_182 {strides = array<i32>} : memref<16384xf32, #tpu.memory_space<vmem>>, vector<16xf32>,
        %mul3A_183 = arith.constant 8 : i32
        %mul3A_184 = arith.muli %scan3A_84, %mul3A_183 : i32
        %add3A_185 = arith.constant 5 : i32
        %add3A_186 = arith.addi %mul3A_184, %add3A_185 : i32
        %mul3A_187 = arith.constant 16 : i32
        %mul3A_188 = arith.muli %add3A_186, %mul3A_187 : i32
        %get3A_189 = arith.index_cast %mul3A_188 : i32 to index
        %get3A_190 = tpu.vector_load %arg5[%get3A_189] {strides = array<i32>} : memref<16384xf32, #tpu.memory_space<vmem>>, vector<16xf32>,
        %get3A_191 = vector.shape_cast %get3A_190 : vector<16xf32> to vector<16xf32>
        %mul3A_192 = arith.constant 3.200000e+01 : f32
        %mul3A_193 = vector.broadcast %mul3A_192 : f32 to vector<16xf32>
        %mul3A_194 = arith.mulf %get3A_191, %mul3A_193 : vector<16xf32>
        %get3A_195 = arith.index_cast %mul3A_188 : i32 to index
        %get3A_196 = tpu.vector_load %arg6[%get3A_195] {strides = array<i32>} : memref<16384xf32, #tpu.memory_space<vmem>>, vector<16xf32>,
        %get3A_197 = vector.shape_cast %get3A_196 : vector<16xf32> to vector<16xf32>
        %add3A_198 = arith.addf %mul3A_194, %get3A_197 : vector<16xf32>
        %swap3A_199 = arith.index_cast %mul3A_188 : i32 to index
        %swap3A_200 = tpu.vector_load %arg5[%swap3A_199] {strides = array<i32>} : memref<16384xf32, #tpu.memory_space<vmem>>, vector<16xf32>,
        %swap3A_201 = vector.shape_cast %swap3A_200 : vector<16xf32> to vector<16xf32>
        %swap3A_202 = vector.shape_cast %add3A_198 : vector<16xf32> to vector<16xf32>
        tpu.vector_store %arg5[%swap3A_199], %swap3A_202 {strides = array<i32>} : memref<16384xf32, #tpu.memory_space<vmem>>, vector<16xf32>,
        %mul3A_203 = arith.constant 8 : i32
        %mul3A_204 = arith.muli %scan3A_84, %mul3A_203 : i32
        %add3A_205 = arith.constant 6 : i32
        %add3A_206 = arith.addi %mul3A_204, %add3A_205 : i32
        %mul3A_207 = arith.constant 16 : i32
        %mul3A_208 = arith.muli %add3A_206, %mul3A_207 : i32
        %get3A_209 = arith.index_cast %mul3A_208 : i32 to index
        %get3A_210 = tpu.vector_load %arg5[%get3A_209] {strides = array<i32>} : memref<16384xf32, #tpu.memory_space<vmem>>, vector<16xf32>,
        %get3A_211 = vector.shape_cast %get3A_210 : vector<16xf32> to vector<16xf32>
        %mul3A_212 = arith.constant 3.200000e+01 : f32
        %mul3A_213 = vector.broadcast %mul3A_212 : f32 to vector<16xf32>
        %mul3A_214 = arith.mulf %get3A_211, %mul3A_213 : vector<16xf32>
        %get3A_215 = arith.index_cast %mul3A_208 : i32 to index
        %get3A_216 = tpu.vector_load %arg6[%get3A_215] {strides = array<i32>} : memref<16384xf32, #tpu.memory_space<vmem>>, vector<16xf32>,
        %get3A_217 = vector.shape_cast %get3A_216 : vector<16xf32> to vector<16xf32>
        %add3A_218 = arith.addf %mul3A_214, %get3A_217 : vector<16xf32>
        %swap3A_219 = arith.index_cast %mul3A_208 : i32 to index
        %swap3A_220 = tpu.vector_load %arg5[%swap3A_219] {strides = array<i32>} : memref<16384xf32, #tpu.memory_space<vmem>>, vector<16xf32>,
        %swap3A_221 = vector.shape_cast %swap3A_220 : vector<16xf32> to vector<16xf32>
        %swap3A_222 = vector.shape_cast %add3A_218 : vector<16xf32> to vector<16xf32>
        tpu.vector_store %arg5[%swap3A_219], %swap3A_222 {strides = array<i32>} : memref<16384xf32, #tpu.memory_space<vmem>>, vector<16xf32>,
        %mul3A_223 = arith.constant 8 : i32
        %mul3A_224 = arith.muli %scan3A_84, %mul3A_223 : i32
        %add3A_225 = arith.constant 7 : i32
        %add3A_226 = arith.addi %mul3A_224, %add3A_225 : i32
        %mul3A_227 = arith.constant 16 : i32
        %mul3A_228 = arith.muli %add3A_226, %mul3A_227 : i32
        %get3A_229 = arith.index_cast %mul3A_228 : i32 to index
        %get3A_230 = tpu.vector_load %arg5[%get3A_229] {strides = array<i32>} : memref<16384xf32, #tpu.memory_space<vmem>>, vector<16xf32>,
        %get3A_231 = vector.shape_cast %get3A_230 : vector<16xf32> to vector<16xf32>
        %mul3A_232 = arith.constant 3.200000e+01 : f32
        %mul3A_233 = vector.broadcast %mul3A_232 : f32 to vector<16xf32>
        %mul3A_234 = arith.mulf %get3A_231, %mul3A_233 : vector<16xf32>
        %get3A_235 = arith.index_cast %mul3A_228 : i32 to index
        %get3A_236 = tpu.vector_load %arg6[%get3A_235] {strides = array<i32>} : memref<16384xf32, #tpu.memory_space<vmem>>, vector<16xf32>,
        %get3A_237 = vector.shape_cast %get3A_236 : vector<16xf32> to vector<16xf32>
        %add3A_238 = arith.addf %mul3A_234, %get3A_237 : vector<16xf32>
        %swap3A_239 = arith.index_cast %mul3A_228 : i32 to index
        %swap3A_240 = tpu.vector_load %arg5[%swap3A_239] {strides = array<i32>} : memref<16384xf32, #tpu.memory_space<vmem>>, vector<16xf32>,
        %swap3A_241 = vector.shape_cast %swap3A_240 : vector<16xf32> to vector<16xf32>
        %swap3A_242 = vector.shape_cast %add3A_238 : vector<16xf32> to vector<16xf32>
        tpu.vector_store %arg5[%swap3A_239], %swap3A_242 {strides = array<i32>} : memref<16384xf32, #tpu.memory_space<vmem>>, vector<16xf32>,
      }
      %scan3A_50 = arith.constant 128 : i32
      %mul3A_51 = arith.constant 16384 : i32
      %mul3A_52 = arith.muli %add3A_30, %mul3A_51 : i32
      %add3A_53 = arith.addi %mul3A_2, %mul3A_52 : i32
      "tpu.region"() ({
        %run_scoped3A = tpu.sem_alloc : memref<!tpu.dma_semaphore, #tpu.memory_space<semaphore_mem>>
        %dma_start3A_84 = tpu.memref_slice %arg4[%add3A_53] : memref<33554432xf32, #tpu.memory_space<hbm>> -> memref<16384xf32, #tpu.memory_space<hbm>>
        %dma_start3A_85 = tpu.memref_slice %arg4[%add3A_53] : memref<33554432xf32, #tpu.memory_space<hbm>> -> memref<16384xf32, #tpu.memory_space<hbm>>
        tpu.enqueue_dma source(%arg5 : memref<16384xf32, #tpu.memory_space<vmem>>) target(%dma_start3A_85 : memref<16384xf32, #tpu.memory_space<hbm>>) target_semaphore(%run_scoped3A : memref<!tpu.dma_semaphore, #tpu.memory_space<semaphore_mem>>)
        %dma_wait3A_86 = tpu.memref_slice %arg4[%add3A_53] : memref<33554432xf32, #tpu.memory_space<hbm>> -> memref<16384xf32, #tpu.memory_space<hbm>>
        %dma_wait3A_87 = tpu.memref_slice %arg4[%add3A_53] : memref<33554432xf32, #tpu.memory_space<hbm>> -> memref<16384xf32, #tpu.memory_space<hbm>>
        tpu.wait_dma2 semaphore(%run_scoped3A : memref<!tpu.dma_semaphore, #tpu.memory_space<semaphore_mem>>) src(%arg5 : memref<16384xf32, #tpu.memory_space<vmem>>) dst(%dma_wait3A_87 : memref<16384xf32, #tpu.memory_space<hbm>>)
        tpu.yield
      }) : () -> ()
      %mul3A_54 = arith.constant 2 : i32
      %mul3A_55 = arith.muli %mul3A_54, %scan3A_26 : i32
      %add3A_56 = arith.constant 1 : i32
      %add3A_57 = arith.addi %mul3A_55, %add3A_56 : i32
      %add3A_58 = arith.constant 1 : i32
      %add3A_59 = arith.addi %add3A_57, %add3A_58 : i32
      %lt3A_60 = arith.constant 64 : i32
      %lt3A_61 = arith.cmpi slt, %add3A_59, %lt3A_60 : i32
      %convert_element_type3A_62 = arith.extui %lt3A_61 : i1 to i32
      %cond3A_63 = arith.constant 0 : i32
      %cond3A_64 = arith.cmpi ne, %convert_element_type3A_62, %cond3A_63 : i32
      scf.if %cond3A_64 {
        %add3A_84 = arith.constant 1 : i32
        %add3A_85 = arith.addi %add3A_57, %add3A_84 : i32
        %mul3A_86 = arith.constant 16384 : i32
        %mul3A_87 = arith.muli %add3A_85, %mul3A_86 : i32
        %add3A_88 = arith.addi %mul3A_2, %mul3A_87 : i32
        %dma_start3A_89 = tpu.memref_slice %arg2[%add3A_88] : memref<33554432xf32, #tpu.memory_space<hbm>> -> memref<16384xf32, #tpu.memory_space<hbm>>
        %dma_start3A_90 = tpu.memref_slice %arg2[%add3A_88] : memref<33554432xf32, #tpu.memory_space<hbm>> -> memref<16384xf32, #tpu.memory_space<hbm>>
        tpu.enqueue_dma source(%dma_start3A_90 : memref<16384xf32, #tpu.memory_space<hbm>>) target(%arg5 : memref<16384xf32, #tpu.memory_space<vmem>>) target_semaphore(%arg9 : memref<!tpu.dma_semaphore, #tpu.memory_space<semaphore_mem>>)
        %mul3A_91 = arith.constant 16384 : i32
        %mul3A_92 = arith.muli %add3A_85, %mul3A_91 : i32
        %add3A_93 = arith.addi %mul3A_13, %mul3A_92 : i32
        %dma_start3A_94 = tpu.memref_slice %arg3[%add3A_93] : memref<8388608xf32, #tpu.memory_space<hbm>> -> memref<16384xf32, #tpu.memory_space<hbm>>
        %dma_start3A_95 = tpu.memref_slice %arg3[%add3A_93] : memref<8388608xf32, #tpu.memory_space<hbm>> -> memref<16384xf32, #tpu.memory_space<hbm>>
        tpu.enqueue_dma source(%dma_start3A_95 : memref<16384xf32, #tpu.memory_space<hbm>>) target(%arg6 : memref<16384xf32, #tpu.memory_space<vmem>>) target_semaphore(%arg10 : memref<!tpu.dma_semaphore, #tpu.memory_space<semaphore_mem>>)
      } else {
      }
      %mul3A_65 = arith.constant 16384 : i32
      %mul3A_66 = arith.muli %add3A_57, %mul3A_65 : i32
      %add3A_67 = arith.addi %mul3A_2, %mul3A_66 : i32
      %dma_wait3A_68 = tpu.memref_slice %arg2[%add3A_67] : memref<33554432xf32, #tpu.memory_space<hbm>> -> memref<16384xf32, #tpu.memory_space<hbm>>
      %dma_wait3A_69 = tpu.memref_slice %arg2[%add3A_67] : memref<33554432xf32, #tpu.memory_space<hbm>> -> memref<16384xf32, #tpu.memory_space<hbm>>
      tpu.wait_dma2 semaphore(%arg11 : memref<!tpu.dma_semaphore, #tpu.memory_space<semaphore_mem>>) src(%dma_wait3A_69 : memref<16384xf32, #tpu.memory_space<hbm>>) dst(%arg7 : memref<16384xf32, #tpu.memory_space<vmem>>)
      %mul3A_70 = arith.constant 16384 : i32
      %mul3A_71 = arith.muli %add3A_57, %mul3A_70 : i32
      %add3A_72 = arith.addi %mul3A_13, %mul3A_71 : i32
      %dma_wait3A_73 = tpu.memref_slice %arg3[%add3A_72] : memref<8388608xf32, #tpu.memory_space<hbm>> -> memref<16384xf32, #tpu.memory_space<hbm>>
      %dma_wait3A_74 = tpu.memref_slice %arg3[%add3A_72] : memref<8388608xf32, #tpu.memory_space<hbm>> -> memref<16384xf32, #tpu.memory_space<hbm>>
      tpu.wait_dma2 semaphore(%arg12 : memref<!tpu.dma_semaphore, #tpu.memory_space<semaphore_mem>>) src(%dma_wait3A_74 : memref<16384xf32, #tpu.memory_space<hbm>>) dst(%arg8 : memref<16384xf32, #tpu.memory_space<vmem>>)
      %scan3A_75 = arith.constant 0 : i32
      %scan3A_76 = arith.constant 0 : i32
      %scan3A_77 = arith.constant 128 : i32
      %scan3A_78 = arith.addi %scan3A_76, %scan3A_77 : i32
      %scan3A_79 = arith.constant 1 : i32
      scf.for %scan3A_84 = %scan3A_76 to %scan3A_78 step %scan3A_79  : i32 {
        %mul3A_85 = arith.constant 8 : i32
        %mul3A_86 = arith.muli %scan3A_84, %mul3A_85 : i32
        %add3A_87 = arith.constant 0 : i32
        %add3A_88 = arith.addi %mul3A_86, %add3A_87 : i32
        %mul3A_89 = arith.constant 16 : i32
        %mul3A_90 = arith.muli %add3A_88, %mul3A_89 : i32
        %get3A = arith.index_cast %mul3A_90 : i32 to index
        %get3A_91 = tpu.vector_load %arg7[%get3A] {strides = array<i32>} : memref<16384xf32, #tpu.memory_space<vmem>>, vector<16xf32>,
        %get3A_92 = vector.shape_cast %get3A_91 : vector<16xf32> to vector<16xf32>
        %mul3A_93 = arith.constant 3.200000e+01 : f32
        %mul3A_94 = vector.broadcast %mul3A_93 : f32 to vector<16xf32>
        %mul3A_95 = arith.mulf %get3A_92, %mul3A_94 : vector<16xf32>
        %get3A_96 = arith.index_cast %mul3A_90 : i32 to index
        %get3A_97 = tpu.vector_load %arg8[%get3A_96] {strides = array<i32>} : memref<16384xf32, #tpu.memory_space<vmem>>, vector<16xf32>,
        %get3A_98 = vector.shape_cast %get3A_97 : vector<16xf32> to vector<16xf32>
        %add3A_99 = arith.addf %mul3A_95, %get3A_98 : vector<16xf32>
        %swap3A = arith.index_cast %mul3A_90 : i32 to index
        %swap3A_100 = tpu.vector_load %arg7[%swap3A] {strides = array<i32>} : memref<16384xf32, #tpu.memory_space<vmem>>, vector<16xf32>,
        %swap3A_101 = vector.shape_cast %swap3A_100 : vector<16xf32> to vector<16xf32>
        %swap3A_102 = vector.shape_cast %add3A_99 : vector<16xf32> to vector<16xf32>
        tpu.vector_store %arg7[%swap3A], %swap3A_102 {strides = array<i32>} : memref<16384xf32, #tpu.memory_space<vmem>>, vector<16xf32>,
        %mul3A_103 = arith.constant 8 : i32
        %mul3A_104 = arith.muli %scan3A_84, %mul3A_103 : i32
        %add3A_105 = arith.constant 1 : i32
        %add3A_106 = arith.addi %mul3A_104, %add3A_105 : i32
        %mul3A_107 = arith.constant 16 : i32
        %mul3A_108 = arith.muli %add3A_106, %mul3A_107 : i32
        %get3A_109 = arith.index_cast %mul3A_108 : i32 to index
        %get3A_110 = tpu.vector_load %arg7[%get3A_109] {strides = array<i32>} : memref<16384xf32, #tpu.memory_space<vmem>>, vector<16xf32>,
        %get3A_111 = vector.shape_cast %get3A_110 : vector<16xf32> to vector<16xf32>
        %mul3A_112 = arith.constant 3.200000e+01 : f32
        %mul3A_113 = vector.broadcast %mul3A_112 : f32 to vector<16xf32>
        %mul3A_114 = arith.mulf %get3A_111, %mul3A_113 : vector<16xf32>
        %get3A_115 = arith.index_cast %mul3A_108 : i32 to index
        %get3A_116 = tpu.vector_load %arg8[%get3A_115] {strides = array<i32>} : memref<16384xf32, #tpu.memory_space<vmem>>, vector<16xf32>,
        %get3A_117 = vector.shape_cast %get3A_116 : vector<16xf32> to vector<16xf32>
        %add3A_118 = arith.addf %mul3A_114, %get3A_117 : vector<16xf32>
        %swap3A_119 = arith.index_cast %mul3A_108 : i32 to index
        %swap3A_120 = tpu.vector_load %arg7[%swap3A_119] {strides = array<i32>} : memref<16384xf32, #tpu.memory_space<vmem>>, vector<16xf32>,
        %swap3A_121 = vector.shape_cast %swap3A_120 : vector<16xf32> to vector<16xf32>
        %swap3A_122 = vector.shape_cast %add3A_118 : vector<16xf32> to vector<16xf32>
        tpu.vector_store %arg7[%swap3A_119], %swap3A_122 {strides = array<i32>} : memref<16384xf32, #tpu.memory_space<vmem>>, vector<16xf32>,
        %mul3A_123 = arith.constant 8 : i32
        %mul3A_124 = arith.muli %scan3A_84, %mul3A_123 : i32
        %add3A_125 = arith.constant 2 : i32
        %add3A_126 = arith.addi %mul3A_124, %add3A_125 : i32
        %mul3A_127 = arith.constant 16 : i32
        %mul3A_128 = arith.muli %add3A_126, %mul3A_127 : i32
        %get3A_129 = arith.index_cast %mul3A_128 : i32 to index
        %get3A_130 = tpu.vector_load %arg7[%get3A_129] {strides = array<i32>} : memref<16384xf32, #tpu.memory_space<vmem>>, vector<16xf32>,
        %get3A_131 = vector.shape_cast %get3A_130 : vector<16xf32> to vector<16xf32>
        %mul3A_132 = arith.constant 3.200000e+01 : f32
        %mul3A_133 = vector.broadcast %mul3A_132 : f32 to vector<16xf32>
        %mul3A_134 = arith.mulf %get3A_131, %mul3A_133 : vector<16xf32>
        %get3A_135 = arith.index_cast %mul3A_128 : i32 to index
        %get3A_136 = tpu.vector_load %arg8[%get3A_135] {strides = array<i32>} : memref<16384xf32, #tpu.memory_space<vmem>>, vector<16xf32>,
        %get3A_137 = vector.shape_cast %get3A_136 : vector<16xf32> to vector<16xf32>
        %add3A_138 = arith.addf %mul3A_134, %get3A_137 : vector<16xf32>
        %swap3A_139 = arith.index_cast %mul3A_128 : i32 to index
        %swap3A_140 = tpu.vector_load %arg7[%swap3A_139] {strides = array<i32>} : memref<16384xf32, #tpu.memory_space<vmem>>, vector<16xf32>,
        %swap3A_141 = vector.shape_cast %swap3A_140 : vector<16xf32> to vector<16xf32>
        %swap3A_142 = vector.shape_cast %add3A_138 : vector<16xf32> to vector<16xf32>
        tpu.vector_store %arg7[%swap3A_139], %swap3A_142 {strides = array<i32>} : memref<16384xf32, #tpu.memory_space<vmem>>, vector<16xf32>,
        %mul3A_143 = arith.constant 8 : i32
        %mul3A_144 = arith.muli %scan3A_84, %mul3A_143 : i32
        %add3A_145 = arith.constant 3 : i32
        %add3A_146 = arith.addi %mul3A_144, %add3A_145 : i32
        %mul3A_147 = arith.constant 16 : i32
        %mul3A_148 = arith.muli %add3A_146, %mul3A_147 : i32
        %get3A_149 = arith.index_cast %mul3A_148 : i32 to index
        %get3A_150 = tpu.vector_load %arg7[%get3A_149] {strides = array<i32>} : memref<16384xf32, #tpu.memory_space<vmem>>, vector<16xf32>,
        %get3A_151 = vector.shape_cast %get3A_150 : vector<16xf32> to vector<16xf32>
        %mul3A_152 = arith.constant 3.200000e+01 : f32
        %mul3A_153 = vector.broadcast %mul3A_152 : f32 to vector<16xf32>
        %mul3A_154 = arith.mulf %get3A_151, %mul3A_153 : vector<16xf32>
        %get3A_155 = arith.index_cast %mul3A_148 : i32 to index
        %get3A_156 = tpu.vector_load %arg8[%get3A_155] {strides = array<i32>} : memref<16384xf32, #tpu.memory_space<vmem>>, vector<16xf32>,
        %get3A_157 = vector.shape_cast %get3A_156 : vector<16xf32> to vector<16xf32>
        %add3A_158 = arith.addf %mul3A_154, %get3A_157 : vector<16xf32>
        %swap3A_159 = arith.index_cast %mul3A_148 : i32 to index
        %swap3A_160 = tpu.vector_load %arg7[%swap3A_159] {strides = array<i32>} : memref<16384xf32, #tpu.memory_space<vmem>>, vector<16xf32>,
        %swap3A_161 = vector.shape_cast %swap3A_160 : vector<16xf32> to vector<16xf32>
        %swap3A_162 = vector.shape_cast %add3A_158 : vector<16xf32> to vector<16xf32>
        tpu.vector_store %arg7[%swap3A_159], %swap3A_162 {strides = array<i32>} : memref<16384xf32, #tpu.memory_space<vmem>>, vector<16xf32>,
        %mul3A_163 = arith.constant 8 : i32
        %mul3A_164 = arith.muli %scan3A_84, %mul3A_163 : i32
        %add3A_165 = arith.constant 4 : i32
        %add3A_166 = arith.addi %mul3A_164, %add3A_165 : i32
        %mul3A_167 = arith.constant 16 : i32
        %mul3A_168 = arith.muli %add3A_166, %mul3A_167 : i32
        %get3A_169 = arith.index_cast %mul3A_168 : i32 to index
        %get3A_170 = tpu.vector_load %arg7[%get3A_169] {strides = array<i32>} : memref<16384xf32, #tpu.memory_space<vmem>>, vector<16xf32>,
        %get3A_171 = vector.shape_cast %get3A_170 : vector<16xf32> to vector<16xf32>
        %mul3A_172 = arith.constant 3.200000e+01 : f32
        %mul3A_173 = vector.broadcast %mul3A_172 : f32 to vector<16xf32>
        %mul3A_174 = arith.mulf %get3A_171, %mul3A_173 : vector<16xf32>
        %get3A_175 = arith.index_cast %mul3A_168 : i32 to index
        %get3A_176 = tpu.vector_load %arg8[%get3A_175] {strides = array<i32>} : memref<16384xf32, #tpu.memory_space<vmem>>, vector<16xf32>,
        %get3A_177 = vector.shape_cast %get3A_176 : vector<16xf32> to vector<16xf32>
        %add3A_178 = arith.addf %mul3A_174, %get3A_177 : vector<16xf32>
        %swap3A_179 = arith.index_cast %mul3A_168 : i32 to index
        %swap3A_180 = tpu.vector_load %arg7[%swap3A_179] {strides = array<i32>} : memref<16384xf32, #tpu.memory_space<vmem>>, vector<16xf32>,
        %swap3A_181 = vector.shape_cast %swap3A_180 : vector<16xf32> to vector<16xf32>
        %swap3A_182 = vector.shape_cast %add3A_178 : vector<16xf32> to vector<16xf32>
        tpu.vector_store %arg7[%swap3A_179], %swap3A_182 {strides = array<i32>} : memref<16384xf32, #tpu.memory_space<vmem>>, vector<16xf32>,
        %mul3A_183 = arith.constant 8 : i32
        %mul3A_184 = arith.muli %scan3A_84, %mul3A_183 : i32
        %add3A_185 = arith.constant 5 : i32
        %add3A_186 = arith.addi %mul3A_184, %add3A_185 : i32
        %mul3A_187 = arith.constant 16 : i32
        %mul3A_188 = arith.muli %add3A_186, %mul3A_187 : i32
        %get3A_189 = arith.index_cast %mul3A_188 : i32 to index
        %get3A_190 = tpu.vector_load %arg7[%get3A_189] {strides = array<i32>} : memref<16384xf32, #tpu.memory_space<vmem>>, vector<16xf32>,
        %get3A_191 = vector.shape_cast %get3A_190 : vector<16xf32> to vector<16xf32>
        %mul3A_192 = arith.constant 3.200000e+01 : f32
        %mul3A_193 = vector.broadcast %mul3A_192 : f32 to vector<16xf32>
        %mul3A_194 = arith.mulf %get3A_191, %mul3A_193 : vector<16xf32>
        %get3A_195 = arith.index_cast %mul3A_188 : i32 to index
        %get3A_196 = tpu.vector_load %arg8[%get3A_195] {strides = array<i32>} : memref<16384xf32, #tpu.memory_space<vmem>>, vector<16xf32>,
        %get3A_197 = vector.shape_cast %get3A_196 : vector<16xf32> to vector<16xf32>
        %add3A_198 = arith.addf %mul3A_194, %get3A_197 : vector<16xf32>
        %swap3A_199 = arith.index_cast %mul3A_188 : i32 to index
        %swap3A_200 = tpu.vector_load %arg7[%swap3A_199] {strides = array<i32>} : memref<16384xf32, #tpu.memory_space<vmem>>, vector<16xf32>,
        %swap3A_201 = vector.shape_cast %swap3A_200 : vector<16xf32> to vector<16xf32>
        %swap3A_202 = vector.shape_cast %add3A_198 : vector<16xf32> to vector<16xf32>
        tpu.vector_store %arg7[%swap3A_199], %swap3A_202 {strides = array<i32>} : memref<16384xf32, #tpu.memory_space<vmem>>, vector<16xf32>,
        %mul3A_203 = arith.constant 8 : i32
        %mul3A_204 = arith.muli %scan3A_84, %mul3A_203 : i32
        %add3A_205 = arith.constant 6 : i32
        %add3A_206 = arith.addi %mul3A_204, %add3A_205 : i32
        %mul3A_207 = arith.constant 16 : i32
        %mul3A_208 = arith.muli %add3A_206, %mul3A_207 : i32
        %get3A_209 = arith.index_cast %mul3A_208 : i32 to index
        %get3A_210 = tpu.vector_load %arg7[%get3A_209] {strides = array<i32>} : memref<16384xf32, #tpu.memory_space<vmem>>, vector<16xf32>,
        %get3A_211 = vector.shape_cast %get3A_210 : vector<16xf32> to vector<16xf32>
        %mul3A_212 = arith.constant 3.200000e+01 : f32
        %mul3A_213 = vector.broadcast %mul3A_212 : f32 to vector<16xf32>
        %mul3A_214 = arith.mulf %get3A_211, %mul3A_213 : vector<16xf32>
        %get3A_215 = arith.index_cast %mul3A_208 : i32 to index
        %get3A_216 = tpu.vector_load %arg8[%get3A_215] {strides = array<i32>} : memref<16384xf32, #tpu.memory_space<vmem>>, vector<16xf32>,
        %get3A_217 = vector.shape_cast %get3A_216 : vector<16xf32> to vector<16xf32>
        %add3A_218 = arith.addf %mul3A_214, %get3A_217 : vector<16xf32>
        %swap3A_219 = arith.index_cast %mul3A_208 : i32 to index
        %swap3A_220 = tpu.vector_load %arg7[%swap3A_219] {strides = array<i32>} : memref<16384xf32, #tpu.memory_space<vmem>>, vector<16xf32>,
        %swap3A_221 = vector.shape_cast %swap3A_220 : vector<16xf32> to vector<16xf32>
        %swap3A_222 = vector.shape_cast %add3A_218 : vector<16xf32> to vector<16xf32>
        tpu.vector_store %arg7[%swap3A_219], %swap3A_222 {strides = array<i32>} : memref<16384xf32, #tpu.memory_space<vmem>>, vector<16xf32>,
        %mul3A_223 = arith.constant 8 : i32
        %mul3A_224 = arith.muli %scan3A_84, %mul3A_223 : i32
        %add3A_225 = arith.constant 7 : i32
        %add3A_226 = arith.addi %mul3A_224, %add3A_225 : i32
        %mul3A_227 = arith.constant 16 : i32
        %mul3A_228 = arith.muli %add3A_226, %mul3A_227 : i32
        %get3A_229 = arith.index_cast %mul3A_228 : i32 to index
        %get3A_230 = tpu.vector_load %arg7[%get3A_229] {strides = array<i32>} : memref<16384xf32, #tpu.memory_space<vmem>>, vector<16xf32>,
        %get3A_231 = vector.shape_cast %get3A_230 : vector<16xf32> to vector<16xf32>
        %mul3A_232 = arith.constant 3.200000e+01 : f32
        %mul3A_233 = vector.broadcast %mul3A_232 : f32 to vector<16xf32>
        %mul3A_234 = arith.mulf %get3A_231, %mul3A_233 : vector<16xf32>
        %get3A_235 = arith.index_cast %mul3A_228 : i32 to index
        %get3A_236 = tpu.vector_load %arg8[%get3A_235] {strides = array<i32>} : memref<16384xf32, #tpu.memory_space<vmem>>, vector<16xf32>,
        %get3A_237 = vector.shape_cast %get3A_236 : vector<16xf32> to vector<16xf32>
        %add3A_238 = arith.addf %mul3A_234, %get3A_237 : vector<16xf32>
        %swap3A_239 = arith.index_cast %mul3A_228 : i32 to index
        %swap3A_240 = tpu.vector_load %arg7[%swap3A_239] {strides = array<i32>} : memref<16384xf32, #tpu.memory_space<vmem>>, vector<16xf32>,
        %swap3A_241 = vector.shape_cast %swap3A_240 : vector<16xf32> to vector<16xf32>
        %swap3A_242 = vector.shape_cast %add3A_238 : vector<16xf32> to vector<16xf32>
        tpu.vector_store %arg7[%swap3A_239], %swap3A_242 {strides = array<i32>} : memref<16384xf32, #tpu.memory_space<vmem>>, vector<16xf32>,
      }
      %scan3A_80 = arith.constant 128 : i32
      %mul3A_81 = arith.constant 16384 : i32
      %mul3A_82 = arith.muli %add3A_57, %mul3A_81 : i32
      %add3A_83 = arith.addi %mul3A_2, %mul3A_82 : i32
      "tpu.region"() ({
        %run_scoped3A = tpu.sem_alloc : memref<!tpu.dma_semaphore, #tpu.memory_space<semaphore_mem>>
        %dma_start3A_84 = tpu.memref_slice %arg4[%add3A_83] : memref<33554432xf32, #tpu.memory_space<hbm>> -> memref<16384xf32, #tpu.memory_space<hbm>>
        %dma_start3A_85 = tpu.memref_slice %arg4[%add3A_83] : memref<33554432xf32, #tpu.memory_space<hbm>> -> memref<16384xf32, #tpu.memory_space<hbm>>
        tpu.enqueue_dma source(%arg7 : memref<16384xf32, #tpu.memory_space<vmem>>) target(%dma_start3A_85 : memref<16384xf32, #tpu.memory_space<hbm>>) target_semaphore(%run_scoped3A : memref<!tpu.dma_semaphore, #tpu.memory_space<semaphore_mem>>)
        %dma_wait3A_86 = tpu.memref_slice %arg4[%add3A_83] : memref<33554432xf32, #tpu.memory_space<hbm>> -> memref<16384xf32, #tpu.memory_space<hbm>>
        %dma_wait3A_87 = tpu.memref_slice %arg4[%add3A_83] : memref<33554432xf32, #tpu.memory_space<hbm>> -> memref<16384xf32, #tpu.memory_space<hbm>>
        tpu.wait_dma2 semaphore(%run_scoped3A : memref<!tpu.dma_semaphore, #tpu.memory_space<semaphore_mem>>) src(%arg7 : memref<16384xf32, #tpu.memory_space<vmem>>) dst(%dma_wait3A_87 : memref<16384xf32, #tpu.memory_space<hbm>>)
        tpu.yield
      }) : () -> ()
    }
    %scan3A_25 = arith.constant 32 : i32
    return
  }
}

</mosaic_0001>

<sc_bundles>
// kernel: kernel.3.cloned.1.call-start
scs
__scs_entry_jumppad:
0x0: {  	(pc) =	sbr.rel $0x88, $3  }
0x1: {  	(tag) =	ssettag $0x0;
	lr =	simm.s32 $0x1  }
0x2: {  	[smem:$0x3F9F] =	sst lr;
	_ =	strace $0xD0000000  }
0x3: {  	_ = 	snop  }
0x4: {  	_ = 	snop  }
0x5: {  	_ = 	snop  }
0x6: {  	_ = 	snop  }
0x7: {  	_ = 	snop  }
__scs_overlays_trampoline_lowered:
0x8: {  	[smem:$0x3FAE] =	sst s0  }
0x9: {  	[smem:$0x3FAF] =	sst s1  }
0xa: {  	[smem:$0x3FB0] =	sst s2  }
0xb: {  	[smem:$0x3FB1] =	sst s3  }
0xc: {  	[smem:$0x3FB2] =	sst s4  }
0xd: {  	[smem:$0x3FB3] =	sst s5  }
0xe: {  	[smem:$0x3FB4] =	sst s6  }
0xf: {  	[smem:$0x3FB5] =	sst s7  }
0x10: {  	[smem:$0x3FB6] =	sst s8  }
0x11: {  	[smem:$0x3FB7] =	sst s9;
	s0 =	simm.s32 @!p0 $0x0  }
0x12: {  	s1 =	sld [smem:$0x3F9D];
	s0 =	simm.s32 @p0 $0x1  }
0x13: {  	[smem:$0x3FB8] =	sst s0;
	s0 =	simm.s32 @!p1 $0x0  }
0x14: {  	s2 =	sld [smem:$0x3F9C];
	s0 =	simm.s32 @p1 $0x1  }
0x15: {  	[smem:$0x3FB9] =	sst s0;
	s0 =	simm.s32 @!p2 $0x0  }
0x16: {  	s3 =	sld [smem:$0x3FDB];
	s0 =	simm.s32 @p2 $0x1  }
0x17: {  	s4 =	simm.s32 $0x1BF5;
	[smem:$0x3FBB] =	sst s0  }
0x18: {  	s0 =	sld [smem:$0x3F9E];
	_ =	swait.ge [sflag:s4], $0x0  }
0x19: {  	s7 =	sld [smem:$0x3F9F]  }
0x1a: {  	s8 =	sadd.s32 $0xFFFFE003, lr  }
0x1b: {  	s9 =	sadd.s32 $0xFFFFFEF7, lr;
	s5 =	simm.s32 $0xFFFFFFFF;
	p2 =	slt.u32 s8, $0xFFFFF086  }
0x1c: {  	p1 =	slt.u32 s9, $0xF7A;
	s5 =	simm.s32 @!p2 $0x0  }
0x1d: {  	s5 =	simm.s32 @p1 $0x1;
	p0 =	seq.s32 s7, s2  }
0x1e: {  	s7 =	smul.u32 @!p0 $0xF7A, s2;
	p2 =	seq.s32 @!p0 s5, $0x0  }
0x1f: {  	s9 =	smul.u32 $0xF7A, s1;
	s8 =	simm.s32 @!p0 $0x1BF5;
	p2 =	por !p2, p0  }
0x20: {  	[sflag:s8] =	ssyncset.s32 @!p0 $0xFFFFF086;
	s6 =	sadd.s32 @!p0 s3, s7;
	s7 =	simm.s32 @!p0 $0x108  }
0x21: {  	s3 =	sadd.s32 s3, s9;
	s6 =	sadd.s32 @!p0 $0x88, s6;
	s7 =	simm.s32 @p2 $0x1082  }
0x22: {  	[simem:s7], [sflag:s8] =	dma.local @!p0 [hbm:s6], $0xF7A  }
0x23: {  	s9 =	sor.u32 $0xD0000000, s2;
	s6 =	simm.s32 $0x108;
	_ =	swait.ge @!p0 [sflag:s8], $0x0  }
0x24: {  	s3 =	sadd.s32 $0x88, s3;
	s6 =	simm.s32 @!p1 $0x1082;
	[sflag:s4] =	ssyncset.s32 $0xFFFFF086  }
0x25: {  	[simem:s6], [sflag:s4] =	dma.local [hbm:s3], $0xF7A  }
0x26: {  	[smem:$0x3F9F] =	sst s1;
	(tag) =	ssettag s2;
	_ =	strace s9  }
0x27: {  	s1 =	sld [smem:$0x3FAF]  }
0x28: {  	s2 =	sld [smem:$0x3FB0]  }
0x29: {  	s4 =	sld [smem:$0x3FB2]  }
0x2a: {  	p0 =	seq.s32 s5, $0x0;
	s5 =	sld [smem:$0x3FB3]  }
0x2b: {  	s6 =	sld [smem:$0x3FB4]  }
0x2c: {  	s7 =	sld [smem:$0x3FB5]  }
0x2d: {  	s3 =	simm.s32 $0x108;
	s8 =	sld [smem:$0x3FB6]  }
0x2e: {  	s3 =	simm.s32 @!p0 $0x1082;
	s9 =	sld [smem:$0x3FB7]  }
0x2f: {  	lr =	sadd.s32 s0, s3;
	s0 =	sld [smem:$0x3FAE]  }
0x30: {  	s3 =	sld [smem:$0x3FB1]  }
0x31: {  	[smem:$0x3FBA] =	sst s10  }
0x32: {  	s10 =	sld [smem:$0x3FB8];
	_ =	sdelay $0x3  }
0x33: {  	p0 =	seq.s32 s10, $0x1;
	s10 =	sld [smem:$0x3FBA];
	_ =	sdelay $0x3  }
0x34: {  	[smem:$0x3FBA] =	sst s10  }
0x35: {  	s10 =	sld [smem:$0x3FB9];
	_ =	sdelay $0x3  }
0x36: {  	p1 =	seq.s32 s10, $0x1;
	s10 =	sld [smem:$0x3FBA];
	_ =	sdelay $0x3  }
0x37: {  	[smem:$0x3FBA] =	sst s10  }
0x38: {  	s10 =	sld [smem:$0x3FBB]  }
0x39: {  	_ = 	snop;
	(pc) =	sbr.ind lr, $3  }
0x3a: {  	_ = 	snop  }
0x3b: {  	_ = 	snop  }
0x3c: {  	p2 =	seq.s32 s10, $0x1;
	s10 =	sld [smem:$0x3FBA]  }
0x3d: {  	_ =	shalt  }
0x3e: {  	_ =	shalt  }
0x3f: {  	_ =	shalt  }
0x40: {  	_ =	shalt  }
0x41: {  	_ =	shalt  }
0x42: {  	_ =	shalt  }
0x43: {  	_ =	shalt  }
0x44: {  	_ =	shalt  }
0x45: {  	_ =	shalt  }
0x46: {  	_ =	shalt  }
0x47: {  	_ =	shalt  }
0x48: {  	_ =	shalt  }
0x49: {  	_ =	shalt  }
0x4a: {  	_ =	shalt  }
0x4b: {  	_ =	shalt  }
0x4c: {  	_ =	shalt  }
0x4d: {  	_ =	shalt  }
0x4e: {  	_ =	shalt  }
0x4f: {  	_ =	shalt  }
0x50: {  	_ =	shalt  }
0x51: {  	_ =	shalt  }
0x52: {  	_ =	shalt  }
0x53: {  	_ =	shalt  }
0x54: {  	_ =	shalt  }
0x55: {  	_ =	shalt  }
0x56: {  	_ =	shalt  }
0x57: {  	_ =	shalt  }
0x58: {  	_ =	shalt  }
0x59: {  	_ =	shalt  }
0x5a: {  	_ =	shalt  }
0x5b: {  	_ =	shalt  }
0x5c: {  	_ =	shalt  }
0x5d: {  	_ =	shalt  }
0x5e: {  	_ =	shalt  }
0x5f: {  	_ =	shalt  }
0x60: {  	_ =	shalt  }
0x61: {  	_ =	shalt  }
0x62: {  	_ =	shalt  }
0x63: {  	_ =	shalt  }
0x64: {  	_ =	shalt  }
0x65: {  	_ =	shalt  }
0x66: {  	_ =	shalt  }
0x67: {  	_ =	shalt  }
0x68: {  	_ =	shalt  }
0x69: {  	_ =	shalt  }
0x6a: {  	_ =	shalt  }
0x6b: {  	_ =	shalt  }
0x6c: {  	_ =	shalt  }
0x6d: {  	_ =	shalt  }
0x6e: {  	_ =	shalt  }
0x6f: {  	_ =	shalt  }
0x70: {  	_ =	shalt  }
0x71: {  	_ =	shalt  }
0x72: {  	_ =	shalt  }
0x73: {  	_ =	shalt  }
0x74: {  	_ =	shalt  }
0x75: {  	_ =	shalt  }
0x76: {  	_ =	shalt  }
0x77: {  	_ =	shalt  }
0x78: {  	_ =	shalt  }
0x79: {  	_ =	shalt  }
0x7a: {  	_ =	shalt  }
0x7b: {  	_ =	shalt  }
0x7c: {  	_ =	shalt  }
0x7d: {  	_ =	shalt  }
0x7e: {  	_ =	shalt  }
0x7f: {  	_ =	shalt  }
0x80: {  	_ =	shalt  }
0x81: {  	_ =	shalt  }
0x82: {  	_ =	shalt  }
0x83: {  	_ =	shalt  }
0x84: {  	_ =	shalt  }
0x85: {  	_ =	shalt  }
0x86: {  	_ =	shalt  }
0x87: {  	_ =	shalt  }
.Lfunc_end0:
.L_simem_size_0:
called_computation.2_lowered:
.L_overlay_start_0:
0x88: {  	s2 =	sld [smem:$0x3FD9]  }
0x89: {  	s3 =	sld [smem:$0x3FFE];
	_ =	sdelay $0x1  }
0x8a: {  	s1 =	srdreg.scid  }
0x8b: {  	s0 =	sand.u32 $0x1, s1  }
0x8c: {  	s17 =	sshll.u32 s0, $0xA;
	s2 =	sadd.s32 s3, s2  }
0x8d: {  	s2 =	sadd.s32 s2, s17  }
0x8e: {  	[smem:$0x3FC6] =	sst s2  }
0x8f: {  	_ = 	snop  }
0x90: {  	s2 =	sld [smem:$0x3FD0];
	(tm) =	ssettm $0x1  }
0x91: {  	s18 =	sld [smem:$0x3FFB];
	_ =	sdelay $0x3  }
0x92: {  	_ =	strace s18  }
0x93: {  	s3 =	sld [smem:$0x3FFC];
	_ =	sdelay $0x3  }
0x94: {  	_ =	strace s3  }
0x95: {  	s3 =	sld [smem:$0x3FFD];
	_ =	sdelay $0x3  }
0x96: {  	_ =	strace s3  }
0x97: {  	_ =	strace $0x8FFFFFFF  }
0x98: {  	s19 =	sld [smem:$0x3FDB];
	_ =	sdelay $0x1  }
0x99: {  	s4 =	simm.s32 $_scs_section_size  }
0x9a: {  	s5 =	simm.s32 $_size__tile_overlayer_lowered;
	s6 =	simm.s32 $_tile_overlayer_lowered  }
0x9b: {  	s22 =	simm.s32 $0x1BFF;
	s21 =	sshll.u32 s6, $0x1;
	s3 =	sadd.s32 s4, s19  }
0x9c: {  	s7 =	simm.s32 $0x0;
	s20 =	sshll.u32 s5, $0x1;
	s5 =	sadd.s32 s21, s3  }
0x9d: {  	[timem:s7], [sflag:s22] =	dma.local [hbm:s5], s20  }
0x9e: {  	_ =	swait.ge [sflag:s22], s20  }
0x9f: {  	s4 =	ssub.s32 $0x0, s20;
	[sflag:s22] =	ssyncset.done $0x0  }
0xa0: {  	[sflag:s22] =	ssyncadd.s32 s4;
	_ =	sdelay $0x1  }
0xa1: {  	s23 =	simm.s32 $0x1B8B  }
0xa2: {  	_ =	swait.ge [sflag:s23], $0x1  }
0xa3: {  	[sflag:s23] =	ssyncset.done $0x0  }
0xa4: {  	s25 =	simm.s32 $0x1B8E;
	s24 =	sld [smem:$0x3FFE];
	[sflag:s23] =	ssyncadd.s32 $0xFFFFFFFF  }
0xa5: {  	s26 =	simm.s32 $execute0_lowered;
	[smem:$0x3FD2] =	sst s25  }
0xa6: {  	s5 =	sshll.u32 s26, $0x1;
	_ =	strace $0x8000004C;
	[dreg:$0x1] =	wrdreg $0xFFFFFFFF  }
0xa7: {  	s28 =	simm.s32 $_size_execute0_lowered;
	s3 =	sadd.s32 s3, s5;
	[dreg:$0x0] =	wrdreg $0x0  }
0xa8: {  	s5 =	sshll.u32 s28, $0x1;
	[dreg:$0x2] =	wrdreg s3  }
0xa9: {  	[dreg:$0x3] =	wrdreg s5  }
0xaa: {  	[dreg:$0x4] =	wrdreg $0xC0  }
0xab: {  	_ =	task [dreg:s7], $0x5FFFF  }
0xac: {  	[dreg:$0x1] =	wrdreg $0xFFFFFFFF  }
0xad: {  	[dreg:$0x0] =	wrdreg $0x60  }
0xae: {  	[dreg:$0x2] =	wrdreg s2  }
0xaf: {  	[dreg:$0x3] =	wrdreg s24  }
0xb0: {  	[dreg:$0x4] =	wrdreg $0x9  }
0xb1: {  	_ =	task.clear_ibuf [dreg:s7], $0x5FFFF;
	_ =	strace $0x9000004C  }
0xb2: {  	s29 =	simm.s32 $0x9;
	_ =	strace $0x8000004E  }
0xb3: {  	_ =	swait.ge [sflag:s29], $0x1  }
0xb4: {  	[sflag:s29] =	ssyncadd.s32 $0xFFFFFFFF  }
0xb5: {  	_ =	strace $0x9000004E  }
0xb6: {  	_ =	sfence  }
0xb7: {  	s30 =	sld [smem:$0x0];
	_ =	sdelay $0x2  }
0xb8: {  	s31 =	sshll.u32 s1, $0xD;
	s1 =	sshrl.u32 s1, $0x2  }
0xb9: {  	s3 =	sand.u32 $0x4000, s31;
	s1 =	sadd.s32 s1, s30  }
0xba: {  	s0 =	sor.u32 s3, s0;
	s1 =	sshll.u32 s1, $0x11  }
0xbb: {  	s0 =	sor.u32 s1, s0  }
0xbc: {  	s0 =	sadd.s32 $0x8F2B, s0  }
0xbd: {  	[sflag:s0] =	ssyncadd.remote.s32 $0x1  }
0xbe: {  	_ =	sfence.sel $0xFFFF  }
0xbf: {  	[dreg:$0x0] =	wrdreg $0xFFFFFFFF;
	(pc) =	sbr.abs _section_cstart, $3  }
0xc0: {  	[dreg:$0x1] =	wrdreg $0xFFFFFFFF  }
0xc1: {  	_ =	task.clear_ibuf [dreg:s7], $0x2FFFF;
	_ =	strace $0x9FFFFFFF  }
0xc2: {  	(tm) =	ssettm $0x7FFFFFFF  }
0xc3: {  	_ =	shalt  }
tec
execute0_lowered:
.L_overlay_start_1:
0x0: {  	(tag) =	ssettag $0x1  }
0x1: {  	s1 =	rddreg [dreg:$0x0]  }
0x2: {  	s6 =	rddreg [dreg:$0x1]  }
0x3: {  	s0 =	rddreg [dreg:$0x2];
	s3 =	simm.s32 $0x0;
	s4 =	srdreg.scid  }
0x4: {  	s2 =	stileid.u32;
	s11 =	simm.s32 $0x4000;
	s12 =	simm.s32 $0x8000  }
0x5: {  	s13 =	simm.s32 $0xC000;
	s14 =	simm.s32 $0x1;
	s15 =	simm.s32 $0x2  }
0x6: {  	s16 =	simm.s32 $0x5;
	s17 =	simm.s32 $0x3;
	s18 =	simm.s32 $0x4  }
0x7: {  	s19 =	simm.s32 $0x0;
	s5 =	sand.u32 $0x1, s4;
	s30 =	sshll.u32 s2, $0x1  }
0x8: {  	[smem:$0x7FF] =	sst s3;
	s4 =	sadd.s32 $0xC00, s6;
	s8 =	sor.u32 s5, s30  }
0x9: {  	s6 =	sadd.s32 $0x100C00, s6;
	s9 =	ssub.s32 $0x2, s5;
	s5 =	sshll.u32 s8, $0x14  }
0xa: {  	_ =	strace $0x8000004D;
	s10 =	sshrl.u32 s9, $0x1;
	s7 =	sand.u32 $0x700000, s5  }
0xb: {  	s8 =	sshll.u32 s8, $0x11;
	s10 =	ssub.s32 s9, s10;
	s31 =	sshrl.u32 s7, $0x3  }
0xc: {  	s8 =	sadd.s32 s1, s8;
	s10 =	smax.u32 s10, $0x1;
	s9 =	sadd.s32 s4, s31  }
.LBB2_1:
0xd: {  	[tilespmem:s3], [sflag:$0x1] =	stream.linear.gather [hbm4b:s8+s3], $0x4000, $0x38;
	[tilespmem:$0x10000] =	vst v63  }
0xe: {  	s20 =	simm.s32 $0x0  }
0xf: {  	[tilespmem:s11], [sflag:$0x2] =	stream.linear.gather [hbm4b:s9+s3], $0x4000, $0x38;
	[tilespmem:$0x10000] =	vst v63  }
.LBB2_2:
0x10: {  	s22 =	sshll.u32 s20, $0xF  }
0x11: {  	s23 =	sor.u32 $0x4000, s22  }
0x12: {  	s21 =	sor.u32 s5, s23  }
0x13: {  	s23 =	sor.u32 s7, s23;
	s21 =	sshrl.u32 s21, $0x3  }
0x14: {  	s25 =	simm.s32 $0x0;
	s23 =	sshrl.u32 s23, $0x3;
	s24 =	sadd.s32 s1, s21  }
0x15: {  	[tilespmem:s12], [sflag:$0x3] =	stream.linear.gather [hbm4b:s24+s25], $0x4000, $0x38;
	[tilespmem:$0x10000] =	vst v63  }
0x16: {  	s23 =	sadd.s32 s4, s23  }
0x17: {  	[tilespmem:s13], [sflag:$0x4] =	stream.linear.gather [hbm4b:s23+s25], $0x4000, $0x38;
	[tilespmem:$0x10000] =	vst v63  }
0x18: {  	_ =	swait.ge [sflag:s14], $0x4000  }
0x19: {  	[sflag:s14] =	ssyncset.done $0x0  }
0x1a: {  	[sflag:s14] =	ssyncadd.s32 $0xFFFFC000  }
0x1b: {  	_ =	swait.ge [sflag:s15], $0x4000  }
0x1c: {  	[sflag:s15] =	ssyncset.done $0x0  }
0x1d: {  	s23 =	simm.s32 $0x0;
	[sflag:s15] =	ssyncadd.s32 $0xFFFFC000  }
0x1e: {  	v5 =	vld [tilespmem:s23+$0x4000]  }
0x1f: {  	v4 =	vld [tilespmem:s23+$0x4010]  }
0x20: {  	v3 =	vld [tilespmem:s23+$0x4020]  }
0x21: {  	v2 =	vld [tilespmem:s23+$0x4030]  }
0x22: {  	v1 =	vld [tilespmem:s23+$0x4040]  }
0x23: {  	v0 =	vld [tilespmem:s23+$0x4050]  }
0x24: {  	v6 =	vld [tilespmem:s23+$0x0]  }
0x25: {  	v11 =	vld [tilespmem:s23+$0x10]  }
0x26: {  	v10 =	vld [tilespmem:s23+$0x20]  }
0x27: {  	v9 =	vld [tilespmem:s23+$0x30]  }
0x28: {  	v8 =	vld [tilespmem:s23+$0x40]  }
0x29: {  	v7 =	vld [tilespmem:s23+$0x50];
	v12 =	vmul.f32 $3.200000000e+01, v6  }
0x2a: {  	s24 =	simm.s32 $0x200;
	v11 =	vmul.f32 $3.200000000e+01, v11;
	v6 =	vld [tilespmem:s23+$0x60]  }
.LBB2_3:
0x2b: {  	p0 =	sne.s32 s24, $0xFE00;
	v5 =	vadd.f32 v5, v12;
	v10 =	vmul.f32 $3.200000000e+01, v10;
	v12 =	vld [tilespmem:s23+$0x70]  }
0x2c: {  	v4 =	vadd.f32 v4, v11;
	v9 =	vmul.f32 $3.200000000e+01, v9;
	v11 =	vld [tilespmem:s23+$0x4060]  }
0x2d: {  	s25 =	sshra.s32 s24, $0x2;
	[tilespmem:s23+$0x0] =	vst v5;
	v3 =	vadd.f32 v3, v10;
	v8 =	vmul.f32 $3.200000000e+01, v8;
	v10 =	vld [tilespmem:s23+$0x4070]  }
0x2e: {  	v5 =	vld [tilespmem:s25+$0x4000];
	[tilespmem:s23+$0x10] =	vst v4;
	v2 =	vadd.f32 v2, v9;
	v7 =	vmul.f32 $3.200000000e+01, v7  }
0x2f: {  	v4 =	vld [tilespmem:s25+$0x4010];
	[tilespmem:s23+$0x20] =	vst v3;
	v1 =	vadd.f32 v1, v8;
	v6 =	vmul.f32 $3.200000000e+01, v6  }
0x30: {  	v3 =	vld [tilespmem:s25+$0x4020];
	[tilespmem:s23+$0x30] =	vst v2;
	v0 =	vadd.f32 v0, v7;
	v7 =	vmul.f32 $3.200000000e+01, v12  }
0x31: {  	v2 =	vld [tilespmem:s25+$0x4030];
	[tilespmem:s23+$0x40] =	vst v1;
	v6 =	vadd.f32 v11, v6  }
0x32: {  	v1 =	vld [tilespmem:s25+$0x4040];
	[tilespmem:s23+$0x50] =	vst v0;
	v7 =	vadd.f32 v10, v7  }
0x33: {  	v0 =	vld [tilespmem:s25+$0x4050];
	[tilespmem:s23+$0x60] =	vst v6  }
0x34: {  	v6 =	vld [tilespmem:s25+$0x0];
	[tilespmem:s23+$0x70] =	vst v7;
	s23 =	smov.u32 s25  }
0x35: {  	v11 =	vld [tilespmem:s23+$0x10]  }
.Ltmp0:
0x36: {  	v10 =	vld [tilespmem:s23+$0x20];
	(pc) =	sbr.rel @p0 .LBB2_3-.Ltmp0, $4  }
0x37: {  	v9 =	vld [tilespmem:s23+$0x30]  }
0x38: {  	v8 =	vld [tilespmem:s23+$0x40]  }
0x39: {  	v12 =	vmul.f32 $3.200000000e+01, v6;
	v7 =	vld [tilespmem:s23+$0x50]  }
0x3a: {  	s24 =	sadd.s32 $0x200, s24;
	v11 =	vmul.f32 $3.200000000e+01, v11;
	v6 =	vld [tilespmem:s23+$0x60]  }
0x3b: {  	v5 =	vadd.f32 v5, v12;
	v12 =	vld [tilespmem:s23+$0x70];
	v10 =	vmul.f32 $3.200000000e+01, v10  }
0x3c: {  	v13 =	vld [tilespmem:s23+$0x4060];
	v4 =	vadd.f32 v4, v11;
	v9 =	vmul.f32 $3.200000000e+01, v9  }
0x3d: {  	[tilespmem:s23+$0x0] =	vst v5;
	v3 =	vadd.f32 v3, v10;
	v5 =	vmul.f32 $3.200000000e+01, v8;
	v8 =	vld [tilespmem:s23+$0x4070]  }
0x3e: {  	[tilespmem:s23+$0x10] =	vst v4;
	v2 =	vadd.f32 v2, v9;
	v4 =	vmul.f32 $3.200000000e+01, v7  }
0x3f: {  	[tilespmem:s23+$0x20] =	vst v3;
	v1 =	vadd.f32 v1, v5;
	v3 =	vmul.f32 $3.200000000e+01, v6  }
0x40: {  	[tilespmem:s23+$0x30] =	vst v2;
	v0 =	vadd.f32 v0, v4;
	v2 =	vmul.f32 $3.200000000e+01, v12  }
0x41: {  	[tilespmem:s23+$0x40] =	vst v1;
	v1 =	vadd.f32 v13, v3  }
0x42: {  	s24 =	sor.u32 s5, s22;
	[tilespmem:s23+$0x50] =	vst v0;
	v0 =	vadd.f32 v8, v2  }
0x43: {  	p0 =	seq.s32 s20, $0x1F;
	s24 =	sshrl.u32 s24, $0x3;
	[tilespmem:s23+$0x60] =	vst v1  }
0x44: {  	s22 =	sadd.s32 @!p0 $0x8000, s22;
	s31 =	sadd.s32 s6, s24;
	[tilespmem:s23+$0x70] =	vst v0  }
0x45: {  	[hbm4b:s31+s3] =	stream.linear.scatter [tilespmem:s3], [sflag:$0x5], $0x4000, $0x38;
	[tilespmem:$0x10000] =	vst v63  }
0x46: {  	s24 =	simm.s32 @!p0 $0x0;
	s23 =	sadd.s32 @!p0 s5, s22;
	_ =	swait.ge [sflag:s16], $0x4000  }
0x47: {  	s22 =	sadd.s32 @!p0 s7, s22;
	s23 =	sshrl.u32 @!p0 s23, $0x3;
	[sflag:s16] =	ssyncset.done $0x0  }
0x48: {  	s22 =	sshrl.u32 @!p0 s22, $0x3;
	s23 =	sadd.s32 @!p0 s1, s23;
	[sflag:s16] =	ssyncadd.s32 $0xFFFFC000  }
0x49: {  	[tilespmem:s24], [sflag:$0x1] =	stream.linear.gather @!p0 [hbm4b:s23+s24], $0x4000, $0x38;
	[tilespmem:$0x10000] =	vst v63  }
0x4a: {  	s22 =	sadd.s32 @!p0 s4, s22;
	s23 =	simm.s32 @!p0 $0x4000  }
0x4b: {  	[tilespmem:s23], [sflag:$0x2] =	stream.linear.gather @!p0 [hbm4b:s22+s24], $0x4000, $0x38;
	[tilespmem:$0x10000] =	vst v63  }
0x4c: {  	_ =	swait.ge [sflag:s17], $0x4000  }
0x4d: {  	[sflag:s17] =	ssyncset.done $0x0  }
0x4e: {  	[sflag:s17] =	ssyncadd.s32 $0xFFFFC000  }
0x4f: {  	_ =	swait.ge [sflag:s18], $0x4000  }
0x50: {  	[sflag:s18] =	ssyncset.done $0x0  }
0x51: {  	s22 =	simm.s32 $0x0;
	[sflag:s18] =	ssyncadd.s32 $0xFFFFC000  }
0x52: {  	v5 =	vld [tilespmem:s22+$0xC000]  }
0x53: {  	v4 =	vld [tilespmem:s22+$0xC010]  }
0x54: {  	v3 =	vld [tilespmem:s22+$0xC020]  }
0x55: {  	v2 =	vld [tilespmem:s22+$0xC030]  }
0x56: {  	v1 =	vld [tilespmem:s22+$0xC040]  }
0x57: {  	v0 =	vld [tilespmem:s22+$0xC050]  }
0x58: {  	v6 =	vld [tilespmem:s22+$0x8000]  }
0x59: {  	v11 =	vld [tilespmem:s22+$0x8010]  }
0x5a: {  	v10 =	vld [tilespmem:s22+$0x8020]  }
0x5b: {  	v9 =	vld [tilespmem:s22+$0x8030]  }
0x5c: {  	v8 =	vld [tilespmem:s22+$0x8040]  }
0x5d: {  	v7 =	vld [tilespmem:s22+$0x8050];
	v12 =	vmul.f32 $3.200000000e+01, v6  }
0x5e: {  	s23 =	simm.s32 $0x200;
	v11 =	vmul.f32 $3.200000000e+01, v11;
	v6 =	vld [tilespmem:s22+$0x8060]  }
.LBB2_5:
0x5f: {  	p0 =	sne.s32 s23, $0xFE00;
	v5 =	vadd.f32 v5, v12;
	v10 =	vmul.f32 $3.200000000e+01, v10;
	v12 =	vld [tilespmem:s22+$0x8070]  }
0x60: {  	v4 =	vadd.f32 v4, v11;
	v9 =	vmul.f32 $3.200000000e+01, v9;
	v11 =	vld [tilespmem:s22+$0xC060]  }
0x61: {  	s24 =	sshra.s32 s23, $0x2;
	[tilespmem:s22+$0x8000] =	vst v5;
	v3 =	vadd.f32 v3, v10;
	v8 =	vmul.f32 $3.200000000e+01, v8;
	v10 =	vld [tilespmem:s22+$0xC070]  }
0x62: {  	v5 =	vld [tilespmem:s24+$0xC000];
	[tilespmem:s22+$0x8010] =	vst v4;
	v2 =	vadd.f32 v2, v9;
	v7 =	vmul.f32 $3.200000000e+01, v7  }
0x63: {  	v4 =	vld [tilespmem:s24+$0xC010];
	[tilespmem:s22+$0x8020] =	vst v3;
	v1 =	vadd.f32 v1, v8;
	v6 =	vmul.f32 $3.200000000e+01, v6  }
0x64: {  	v3 =	vld [tilespmem:s24+$0xC020];
	[tilespmem:s22+$0x8030] =	vst v2;
	v0 =	vadd.f32 v0, v7;
	v7 =	vmul.f32 $3.200000000e+01, v12  }
0x65: {  	v2 =	vld [tilespmem:s24+$0xC030];
	[tilespmem:s22+$0x8040] =	vst v1;
	v6 =	vadd.f32 v11, v6  }
0x66: {  	v1 =	vld [tilespmem:s24+$0xC040];
	[tilespmem:s22+$0x8050] =	vst v0;
	v7 =	vadd.f32 v10, v7  }
0x67: {  	v0 =	vld [tilespmem:s24+$0xC050];
	[tilespmem:s22+$0x8060] =	vst v6  }
0x68: {  	v6 =	vld [tilespmem:s24+$0x8000];
	[tilespmem:s22+$0x8070] =	vst v7;
	s22 =	smov.u32 s24  }
0x69: {  	v11 =	vld [tilespmem:s22+$0x8010]  }
.Ltmp1:
0x6a: {  	v10 =	vld [tilespmem:s22+$0x8020];
	(pc) =	sbr.rel @p0 .LBB2_5-.Ltmp1, $4  }
0x6b: {  	v9 =	vld [tilespmem:s22+$0x8030]  }
0x6c: {  	v8 =	vld [tilespmem:s22+$0x8040]  }
0x6d: {  	v12 =	vmul.f32 $3.200000000e+01, v6;
	v7 =	vld [tilespmem:s22+$0x8050]  }
0x6e: {  	s23 =	sadd.s32 $0x200, s23;
	v11 =	vmul.f32 $3.200000000e+01, v11;
	v6 =	vld [tilespmem:s22+$0x8060]  }
0x6f: {  	v5 =	vadd.f32 v5, v12;
	v56 =	vld [tilespmem:s22+$0x8070];
	v10 =	vmul.f32 $3.200000000e+01, v10  }
0x70: {  	v13 =	vld [tilespmem:s22+$0xC060];
	v4 =	vadd.f32 v4, v11;
	v9 =	vmul.f32 $3.200000000e+01, v9  }
0x71: {  	v58 =	vld [tilespmem:s22+$0xC070];
	[tilespmem:s22+$0x8000] =	vst v5;
	v3 =	vadd.f32 v3, v10;
	v57 =	vmul.f32 $3.200000000e+01, v8  }
0x72: {  	[tilespmem:s22+$0x8010] =	vst v4;
	v2 =	vadd.f32 v2, v9;
	v59 =	vmul.f32 $3.200000000e+01, v7  }
0x73: {  	[tilespmem:s22+$0x8020] =	vst v3;
	v1 =	vadd.f32 v1, v57;
	v60 =	vmul.f32 $3.200000000e+01, v6  }
0x74: {  	[tilespmem:s22+$0x8030] =	vst v2;
	v0 =	vadd.f32 v0, v59;
	v61 =	vmul.f32 $3.200000000e+01, v56  }
0x75: {  	[tilespmem:s22+$0x8040] =	vst v1;
	v62 =	vadd.f32 v13, v60  }
0x76: {  	s20 =	sadd.s32 $0x1, s20;
	[tilespmem:s22+$0x8050] =	vst v0;
	v63 =	vadd.f32 v58, v61  }
0x77: {  	p0 =	sne.s32 s20, $0x20;
	[tilespmem:s22+$0x8060] =	vst v62  }
.Ltmp2:
0x78: {  	s21 =	sadd.s32 s6, s21;
	[tilespmem:s22+$0x8070] =	vst v63;
	(pc) =	sbr.rel @p0 .LBB2_2-.Ltmp2, $4  }
0x79: {  	[hbm4b:s21+s3] =	stream.linear.scatter [tilespmem:s12], [sflag:$0x5], $0x4000, $0x38;
	[tilespmem:$0x10000] =	vst v63  }
0x7a: {  	_ =	swait.ge [sflag:s16], $0x4000  }
0x7b: {  	[sflag:s16] =	ssyncset.done $0x0  }
0x7c: {  	[sflag:s16] =	ssyncadd.s32 $0xFFFFC000  }
0x7d: {  	s19 =	sadd.s32 $0x1, s19  }
0x7e: {  	p0 =	sne.s32 s19, s10  }
.Ltmp3:
0x7f: {  	_ = 	snop;
	(pc) =	sbr.rel @p0 .LBB2_1-.Ltmp3, $1  }
0x80: {  	_ =	sdelay $0x3  }
0x81: {  	_ =	sfence.sel $0x180000  }
0x82: {  	[bflag:$0x0] =	sbarrier.arrive $0xFFFF  }
0x83: {  	p0 =	sne.s32 s2, $0x0;
	_ =	strace $0x9000004D  }
0x84: {  	s0 =	sadd.s32 @!p0 $0x100000, s0;
	[bflag:$0x2] =	sbarrier.arrive $0xFFFF  }
0x85: {  	[sflag:s0] =	ssyncadd.tile.s32 @!p0 $0x1;
	_ =	shalt  }
.Lfunc_end2:
_tile_overlayer_lowered:
.L_overlay_start_2:
0x86: {  	(tag) =	ssettag $0x2  }
0x87: {  	s0 =	rddreg [dreg:$0x0];
	s2 =	stileid.u32  }
0x88: {  	s1 =	rddreg [dreg:$0x1];
	p0 =	sne.s32 s2, $0x0  }
0x89: {  	s3 =	rddreg [dreg:$0x2];
	[bflag:$0x3] =	sbarrier.arrive $0xFFFF;
	s2 =	simm.s32 @!p0 $0x1C05  }
0x8a: {  	[timem:s3], [sflag:s2] =	dma.local @!p0 [hbm:s0], s1  }
0x8b: {  	s0 =	simm.s32 @!p0 $0x5  }
0x8c: {  	_ =	swait.ge @!p0 [sflag:s0], s1  }
0x8d: {  	s1 =	ssub.s32 @!p0 $0x0, s1;
	[sflag:s0] =	ssyncset.done @!p0 $0x0  }
0x8e: {  	[sflag:s0] =	ssyncadd.s32 @!p0 s1  }
0x8f: {  	[bflag:$0x3] =	sbarrier.arrive $0xFFFF  }
0x90: {  	_ =	shalt  }

// kernel: sparse-core-data-format-call.1.cloned.1.call-start
scs
called_computation.1_lowered:
.L_overlay_start_0:
0x0: {  	s2 =	sld [smem:$0x3FD9]  }
0x1: {  	s3 =	sld [smem:$0x3FFE];
	_ =	sdelay $0x1  }
0x2: {  	s1 =	srdreg.scid  }
0x3: {  	s0 =	sand.u32 $0x1, s1  }
0x4: {  	s19 =	sshll.u32 s0, $0xA;
	s2 =	sadd.s32 s3, s2  }
0x5: {  	s2 =	sadd.s32 s2, s19  }
0x6: {  	[smem:$0x3FC6] =	sst s2  }
0x7: {  	_ = 	snop  }
0x8: {  	s20 =	sld [smem:$0x3FC9]  }
0x9: {  	s4 =	sld [smem:$0x3FD0];
	(tm) =	ssettm $0x1  }
0xa: {  	s21 =	sld [smem:$0x3FFB];
	_ =	sdelay $0x3  }
0xb: {  	_ =	strace s21  }
0xc: {  	s2 =	sld [smem:$0x3FFC];
	_ =	sdelay $0x3  }
0xd: {  	_ =	strace s2  }
0xe: {  	s2 =	sld [smem:$0x3FFD];
	_ =	sdelay $0x3  }
0xf: {  	_ =	strace s2  }
0x10: {  	_ =	strace $0x8FFFFFFF  }
0x11: {  	s22 =	sld [smem:$0x3FDB];
	_ =	sdelay $0x1  }
0x12: {  	s5 =	simm.s32 $_scs_section_size  }
0x13: {  	s6 =	simm.s32 $_size__tile_overlayer_lowered;
	s7 =	simm.s32 $_tile_overlayer_lowered  }
0x14: {  	s8 =	simm.s32 $0x1BFF;
	s23 =	sshll.u32 s7, $0x1;
	s5 =	sadd.s32 s5, s22  }
0x15: {  	s24 =	simm.s32 $0x0;
	s6 =	sshll.u32 s6, $0x1;
	s7 =	sadd.s32 s23, s5  }
0x16: {  	[timem:s24], [sflag:s8] =	dma.local [hbm:s7], s6  }
0x17: {  	_ =	swait.ge [sflag:s8], s6  }
0x18: {  	s6 =	ssub.s32 $0x0, s6;
	[sflag:s8] =	ssyncset.done $0x0  }
0x19: {  	[sflag:s8] =	ssyncadd.s32 s6;
	_ =	sdelay $0x1  }
0x1a: {  	s25 =	simm.s32 $0x1B8B  }
0x1b: {  	_ =	swait.ge [sflag:s25], $0x1  }
0x1c: {  	[sflag:s25] =	ssyncset.done $0x0  }
0x1d: {  	[sflag:s25] =	ssyncadd.s32 $0xFFFFFFFF  }
0x1e: {  	s6 =	sld [smem:$0x0]  }
0x1f: {  	s7 =	sand.u32 $0xFFFFFFFE, s1  }
0x20: {  	p0 =	sne.s32 s1, s7  }
0x21: {  	s7 =	sshll.u32 @p0 s7, $0xE  }
0x22: {  	s7 =	sadd.s32 @p0 $0x11B8D, s7;
	s8 =	sshll.u32 @p0 s6, $0x11  }
0x23: {  	s7 =	sor.u32 @p0 s8, s7  }
0x24: {  	[sflag:s7] =	ssyncadd.remote.s32 @p0 $0x1;
	_ =	sdelay $0x1  }
0x25: {  	s7 =	simm.s32 @p0 $0x1B8D  }
0x26: {  	_ =	swait.eq @p0 [sflag:s7], $0x1  }
0x27: {  	[sflag:s7] =	ssyncadd.s32 @p0 $0xFFFFFFFF  }
0x28: {  	s8 =	sshll.u32 @!p0 s1, $0xE  }
0x29: {  	s8 =	sor.u32 @!p0 $0x4000, s8;
	s7 =	simm.s32 @!p0 $0x1B8D  }
0x2a: {  	s6 =	sshll.u32 @!p0 s6, $0x11;
	s8 =	sadd.s32 @!p0 $0x11B8D, s8;
	_ =	swait.eq @!p0 [sflag:s7], $0x1  }
0x2b: {  	s6 =	sor.u32 @!p0 s6, s8;
	[sflag:s7] =	ssyncadd.s32 @!p0 $0xFFFFFFFF  }
0x2c: {  	s26 =	simm.s32 $0x1B8E;
	[sflag:s6] =	ssyncadd.remote.s32 @!p0 $0x1  }
0x2d: {  	s27 =	simm.s32 $execute0_lowered;
	[smem:$0x3FD2] =	sst s26  }
0x2e: {  	s6 =	sshll.u32 s27, $0x1;
	_ =	strace $0x80000049;
	[dreg:$0x1] =	wrdreg $0xFFFFFFFF  }
0x2f: {  	s28 =	simm.s32 $_size_execute0_lowered;
	s5 =	sadd.s32 s5, s6;
	[dreg:$0x0] =	wrdreg $0x0  }
0x30: {  	s6 =	sshll.u32 s28, $0x1;
	[dreg:$0x2] =	wrdreg s5  }
0x31: {  	[dreg:$0x3] =	wrdreg s6  }
0x32: {  	[dreg:$0x4] =	wrdreg $0xC0  }
0x33: {  	_ =	task [dreg:s24], $0x5FFFF  }
0x34: {  	[dreg:$0x1] =	wrdreg $0xFFFFFFFF  }
0x35: {  	[dreg:$0x0] =	wrdreg $0x60  }
0x36: {  	[dreg:$0x2] =	wrdreg s20  }
0x37: {  	[dreg:$0x3] =	wrdreg s4  }
0x38: {  	[dreg:$0x4] =	wrdreg $0xA  }
0x39: {  	_ =	task.clear_ibuf [dreg:s24], $0x5FFFF;
	_ =	strace $0x90000049  }
0x3a: {  	s29 =	simm.s32 $0xA;
	_ =	strace $0x8000004B  }
0x3b: {  	_ =	swait.ge [sflag:s29], $0x1  }
0x3c: {  	[sflag:s29] =	ssyncadd.s32 $0xFFFFFFFF  }
0x3d: {  	_ =	strace $0x9000004B  }
0x3e: {  	_ =	sfence  }
0x3f: {  	s30 =	sld [smem:$0x0];
	_ =	sdelay $0x2  }
0x40: {  	s31 =	sshll.u32 s1, $0xD;
	s1 =	sshrl.u32 s1, $0x2  }
0x41: {  	s4 =	sand.u32 $0x4000, s31;
	s1 =	sadd.s32 s1, s30  }
0x42: {  	s0 =	sor.u32 s4, s0;
	s1 =	sshll.u32 s1, $0x11  }
0x43: {  	s0 =	sor.u32 s1, s0  }
0x44: {  	s0 =	sadd.s32 $0x8F2B, s0  }
0x45: {  	[sflag:s0] =	ssyncadd.remote.s32 $0x1  }
0x46: {  	_ =	sfence.sel $0xFFFF  }
0x47: {  	[dreg:$0x0] =	wrdreg $0xFFFFFFFF;
	(pc) =	sbr.abs _section_cstart, $3  }
0x48: {  	[dreg:$0x1] =	wrdreg $0xFFFFFFFF  }
0x49: {  	_ =	task.clear_ibuf [dreg:s24], $0x2FFFF;
	_ =	strace $0x9FFFFFFF  }
0x4a: {  	(tm) =	ssettm $0x7FFFFFFF  }
0x4b: {  	_ =	shalt  }
tec
execute0_lowered:
.L_overlay_start_1:
0x0: {  	(tag) =	ssettag $0x1  }
0x1: {  	s0 =	srdreg.scid  }
0x2: {  	s1 =	sshll.u32 s0, $0x4  }
0x3: {  	s2 =	rddreg [dreg:$0x0];
	s0 =	stileid.u32;
	s1 =	sand.u32 $0x10, s1  }
0x4: {  	s4 =	rddreg [dreg:$0x1];
	s1 =	sor.u32 s0, s1  }
0x5: {  	s7 =	simm.s32 $0x1;
	s8 =	simm.s32 $0x2;
	s3 =	sshll.u32 s1, $0x1  }
0x6: {  	s9 =	simm.s32 $0x0;
	s12 =	simm.s32 $0x0;
	s6 =	ssub.s32 $0x1000, s3  }
.Ltmp0:
0x7: {  	s11 =	simm.s32 $0x0;
	s5 =	sand.u32 $0x3E, s6;
	(pc) =	sbr.rel .LBB1_1-.Ltmp0, $4  }
0x8: {  	s1 =	rddreg [dreg:$0x2];
	_ =	strace $0x8000004A;
	p0 =	sne.s32 s5, $0x0  }
0x9: {  	s6 =	sshrl.u32 s6, $0x6;
	s5 =	simm.s32 $0x1;
	s7 =	simm.s32 @!p0 $0x0  }
0xa: {  	s10 =	smov.u32 s3;
	[sflag:s5] =	ssyncpa.u1 $0x0;
	s6 =	sadd.s32 s7, s6  }
0xb: {  	[sflag:s8] =	ssyncpa.u1 $0x0;
	s8 =	simm.s32 $0x0;
	s7 =	sadd.s32 $0x1, s6  }
.LBB1_9:
0xc: {  	s14 =	sadd.s32 $0x40, s10  }
0xd: {  	p1 =	sgt.s32 s14, $0xFFF  }
0xe: {  	s14 =	smov.u32 @p1 s3;
	p1 =	sne.s32 s11, s7  }
.Ltmp1:
0xf: {  	p0 =	slt.u32 s11, $0x2;
	(pc) =	sbr.rel @!p1 .LBB1_10-.Ltmp1, $4  }
0x10: {  	s13 =	simm.s32 @!p0 $0x2  }
0x11: {  	s15 =	sadd.s32 $0x1, s11;
	_ =	swait.ge @!p0 [sflag:s13], $0x4000  }
0x12: {  	s12 =	smov.u32 s10;
	s9 =	sadd.s32 $0x4000, s9;
	[sflag:s13] =	ssyncset.done @!p0 $0x0  }
0x13: {  	s11 =	smov.u32 s15;
	s10 =	smov.u32 s14;
	[sflag:s13] =	ssyncadd.s32 @!p0 $0xFFFFC000  }
.LBB1_1:
0x14: {  	p0 =	sge.u32 s11, s6  }
0x15: {  	s13 =	sxor.u32 @!p0 $0xFFFFFFFF, s11  }
0x16: {  	s31 =	sadd.s32 $0xFFFFFFFF, s11;
	s14 =	sshll.u32 @!p0 s10, $0xA;
	s13 =	sshll.u32 @!p0 s13, $0xE  }
0x17: {  	s15 =	simm.s32 @!p0 $0x0;
	s14 =	sadd.s32 @!p0 s2, s14;
	s13 =	sand.u32 @!p0 $0x4000, s13  }
0x18: {  	[tilespmem:s13], [sflag:$0x1] =	stream.linear.gather @!p0 [hbm4b:s14+s15], $0x4000, $0x38;
	[tilespmem:$0x10000] =	vst v63  }
0x19: {  	p0 =	sge.u32 s31, s6  }
.Ltmp2:
0x1a: {  	_ = 	snop;
	(pc) =	sbr.rel @p0 .LBB1_9-.Ltmp2, $1  }
0x1b: {  	_ =	sdelay $0x3  }
0x1c: {  	s13 =	sshll.u32 s9, $0x2  }
0x1d: {  	_ =	swait.ge [sflag:s5], $0x4000;
	s14 =	sshll.u32 s11, $0xE;
	s16 =	simm.s32 $0x0  }
0x1e: {  	p1 =	por $0x1, $0x1;
	s13 =	sand.u32 $0x10000, s13;
	[sflag:s5] =	ssyncset.done $0x0  }
0x1f: {  	s14 =	sand.u32 $0x4000, s14;
	s15 =	sshrl.u32 s13, $0x2;
	[sflag:s5] =	ssyncadd.s32 $0xFFFFC000  }
0x20: {  	s13 =	sor.u32 $0x8000, s14;
	s14 =	sadd.s32 $0x8040, s15;
	s15 =	sadd.s32 $0x40, s15  }
.LBB1_3:
0x21: {  	s16 =	sshll.u32 s16, $0x2  }
0x22: {  	p0 =	por p1, p1;
	s17 =	sshra.s32 s16, $0x2  }
0x23: {  	s18 =	simm.s32 $0x0;
	s16 =	sadd.s32 s17, s14;
	s17 =	sadd.s32 s17, s15  }
.LBB1_4:
0x24: {  	v0 =	vmov s17;
	_ =	sdelay $0x3  }
0x25: {  	s20 =	simm.s32 $0x0  }
0x26: {  	v6 =	vld.idx.msk [tilespmem:v0+s20+$0x30 ss:$0x1], $0xffff  }
0x27: {  	v7 =	vld.idx.msk [tilespmem:v0+s20+$0xFFFFFFC0 ss:$0x1], $0xffff  }
0x28: {  	v5 =	vld.idx.msk [tilespmem:v0+s20+$0xFFFFFFD0 ss:$0x1], $0xffff  }
0x29: {  	v4 =	vld.idx.msk [tilespmem:v0+s20+$0xFFFFFFE0 ss:$0x1], $0xffff  }
0x2a: {  	v3 =	vld.idx.msk [tilespmem:v0+s20+$0xFFFFFFF0 ss:$0x1], $0xffff  }
0x2b: {  	v1 =	vld.idx.msk [tilespmem:v0+s20+$0x0 ss:$0x1], $0xffff  }
0x2c: {  	v2 =	vld.idx.msk [tilespmem:v0+s20+$0x10 ss:$0x1], $0xffff;
	[tilespmem:s16+$0x30] =	vst v6  }
0x2d: {  	s19 =	simm.s32 $0x80;
	s21 =	simm.s32 $0x400;
	[tilespmem:s16+$0xFFFFFFC0] =	vst v7;
	v6 =	vld.idx.msk [tilespmem:v0+s20+$0x20 ss:$0x1], $0xffff;
	s20 =	smov.u32 s16  }
.LBB1_5:
0x2e: {  	p1 =	sne.s32 s21, $0xE00;
	v7 =	vld.idx.msk [tilespmem:v0+s19+$0x30 ss:$0x1], $0xffff;
	[tilespmem:s20+$0xFFFFFFD0] =	vst v5  }
0x2f: {  	v8 =	vld.idx.msk [tilespmem:v0+s19+$0xFFFFFFC0 ss:$0x1], $0xffff;
	[tilespmem:s20+$0xFFFFFFE0] =	vst v4  }
0x30: {  	v5 =	vld.idx.msk [tilespmem:v0+s19+$0xFFFFFFD0 ss:$0x1], $0xffff;
	[tilespmem:s20+$0xFFFFFFF0] =	vst v3  }
.Ltmp3:
0x31: {  	v4 =	vld.idx.msk [tilespmem:v0+s19+$0xFFFFFFE0 ss:$0x1], $0xffff;
	[tilespmem:s20+$0x0] =	vst v1;
	(pc) =	sbr.rel @p1 .LBB1_5-.Ltmp3, $4  }
0x32: {  	v3 =	vld.idx.msk [tilespmem:v0+s19+$0xFFFFFFF0 ss:$0x1], $0xffff;
	[tilespmem:s20+$0x10] =	vst v2  }
0x33: {  	v1 =	vld.idx.msk [tilespmem:v0+s19+$0x0 ss:$0x1], $0xffff;
	[tilespmem:s20+$0x20] =	vst v6;
	s20 =	sadd.s32 $0x400, s20  }
0x34: {  	v2 =	vld.idx.msk [tilespmem:v0+s19+$0x10 ss:$0x1], $0xffff;
	[tilespmem:s20+$0x30] =	vst v7  }
0x35: {  	[tilespmem:s20+$0xFFFFFFC0] =	vst v8;
	v6 =	vld.idx.msk [tilespmem:v0+s19+$0x20 ss:$0x1], $0xffff;
	s19 =	sshra.s32 s21, $0x2;
	s21 =	sadd.s32 $0x200, s21  }
0x36: {  	_ =	sdelay $0x2  }
0x37: {  	[tilespmem:s20+$0xFFFFFFD0] =	vst v5  }
0x38: {  	v56 =	vld.idx.msk [tilespmem:v0+s19+$0x30 ss:$0x1], $0xffff;
	[tilespmem:s20+$0xFFFFFFE0] =	vst v4  }
0x39: {  	v57 =	vld.idx.msk [tilespmem:v0+s19+$0xFFFFFFC0 ss:$0x1], $0xffff;
	[tilespmem:s20+$0xFFFFFFF0] =	vst v3  }
0x3a: {  	v58 =	vld.idx.msk [tilespmem:v0+s19+$0xFFFFFFD0 ss:$0x1], $0xffff;
	[tilespmem:s20+$0x0] =	vst v1  }
0x3b: {  	v59 =	vld.idx.msk [tilespmem:v0+s19+$0xFFFFFFE0 ss:$0x1], $0xffff;
	[tilespmem:s20+$0x10] =	vst v2  }
0x3c: {  	v60 =	vld.idx.msk [tilespmem:v0+s19+$0xFFFFFFF0 ss:$0x1], $0xffff;
	s31 =	sadd.s32 $0x400, s20;
	[tilespmem:s20+$0x20] =	vst v6  }
0x3d: {  	v61 =	vld.idx.msk [tilespmem:v0+s19+$0x0 ss:$0x1], $0xffff;
	[tilespmem:s31+$0x30] =	vst v56  }
0x3e: {  	v62 =	vld.idx.msk [tilespmem:v0+s19+$0x10 ss:$0x1], $0xffff;
	s18 =	sadd.s32 $0x1, s18;
	[tilespmem:s31+$0xFFFFFFC0] =	vst v57  }
0x3f: {  	v63 =	vld.idx.msk [tilespmem:v0+s19+$0x20 ss:$0x1], $0xffff;
	p1 =	sne.s32 s18, $0x8;
	[tilespmem:s31+$0xFFFFFFD0] =	vst v58  }
.Ltmp4:
0x40: {  	[tilespmem:s31+$0xFFFFFFE0] =	vst v59;
	(pc) =	sbr.rel @p1 .LBB1_4-.Ltmp4, $4  }
0x41: {  	[tilespmem:s31+$0xFFFFFFF0] =	vst v60  }
0x42: {  	[tilespmem:s31+$0x0] =	vst v61  }
0x43: {  	[tilespmem:s31+$0x10] =	vst v62  }
0x44: {  	s16 =	sadd.s32 $0x80, s16;
	s17 =	sadd.s32 $0x400, s17;
	[tilespmem:s31+$0x20] =	vst v63  }
.Ltmp5:
0x45: {  	(pc) =	sbr.rel @p0 .LBB1_3-.Ltmp5, $2  }
0x46: {  	_ =	sdelay $0x2  }
0x47: {  	s16 =	simm.s32 $0x2000;
	p1 =	por $0x0, $0x0  }
.Ltmp6:
0x48: {  	(pc) =	sbr.rel .LBB1_9-.Ltmp6, $4  }
0x49: {  	_ = 	snop  }
0x4a: {  	s12 =	sshll.u32 s12, $0xA  }
0x4b: {  	s12 =	sadd.s32 s4, s12  }
0x4c: {  	[hbm4b:s12+s8] =	stream.linear.scatter [tilespmem:s13], [sflag:$0x2], $0x4000, $0x38;
	[tilespmem:$0x10000] =	vst v63  }
.LBB1_10:
0x4d: {  	_ =	sfence.sel $0x180000  }
0x4e: {  	s2 =	simm.s32 $0x1;
	[bflag:$0x0] =	sbarrier.arrive $0xFFFF  }
0x4f: {  	s31 =	simm.s32 $0x2;
	[sflag:s2] =	ssyncpa.u1 $0x1  }
0x50: {  	[sflag:s31] =	ssyncpa.u1 $0x1  }
0x51: {  	p0 =	sne.s32 s0, $0x0;
	_ =	strace $0x9000004A  }
0x52: {  	s0 =	sadd.s32 @!p0 $0x100000, s1;
	[bflag:$0x2] =	sbarrier.arrive $0xFFFF  }
0x53: {  	[sflag:s0] =	ssyncadd.tile.s32 @!p0 $0x1;
	_ =	shalt  }
.Lfunc_end1:
_tile_overlayer_lowered:
.L_overlay_start_2:
0x54: {  	(tag) =	ssettag $0x2  }
0x55: {  	s0 =	rddreg [dreg:$0x0];
	s2 =	stileid.u32  }
0x56: {  	s1 =	rddreg [dreg:$0x1];
	p0 =	sne.s32 s2, $0x0  }
0x57: {  	s3 =	rddreg [dreg:$0x2];
	[bflag:$0x3] =	sbarrier.arrive $0xFFFF;
	s2 =	simm.s32 @!p0 $0x1C01  }
0x58: {  	[timem:s3], [sflag:s2] =	dma.local @!p0 [hbm:s0], s1  }
0x59: {  	s0 =	simm.s32 @!p0 $0x1  }
0x5a: {  	_ =	swait.ge @!p0 [sflag:s0], s1  }
0x5b: {  	s1 =	ssub.s32 @!p0 $0x0, s1;
	[sflag:s0] =	ssyncset.done @!p0 $0x0  }
0x5c: {  	[sflag:s0] =	ssyncadd.s32 @!p0 s1  }
0x5d: {  	[bflag:$0x3] =	sbarrier.arrive $0xFFFF  }
0x5e: {  	_ =	shalt  }

// kernel: sparse-core-data-format-call.cloned.1.call-start
scs
called_computation_lowered:
.L_overlay_start_0:
0x0: {  	s2 =	sld [smem:$0x3FD9]  }
0x1: {  	s3 =	sld [smem:$0x3FFE];
	_ =	sdelay $0x1  }
0x2: {  	s1 =	srdreg.scid  }
0x3: {  	s0 =	sand.u32 $0x1, s1  }
0x4: {  	s18 =	sshll.u32 s0, $0xA;
	s2 =	sadd.s32 s3, s2  }
0x5: {  	s2 =	sadd.s32 s2, s18  }
0x6: {  	[smem:$0x3FC6] =	sst s2  }
0x7: {  	_ = 	snop  }
0x8: {  	s2 =	sld [smem:$0x3FC8];
	(tm) =	ssettm $0x1  }
0x9: {  	s19 =	sld [smem:$0x3FFB];
	_ =	sdelay $0x3  }
0xa: {  	_ =	strace s19  }
0xb: {  	s3 =	sld [smem:$0x3FFC];
	_ =	sdelay $0x3  }
0xc: {  	_ =	strace s3  }
0xd: {  	s3 =	sld [smem:$0x3FFD];
	_ =	sdelay $0x3  }
0xe: {  	_ =	strace s3  }
0xf: {  	_ =	strace $0x8FFFFFFF  }
0x10: {  	s20 =	sld [smem:$0x3FDB];
	_ =	sdelay $0x1  }
0x11: {  	s4 =	simm.s32 $_scs_section_size  }
0x12: {  	s5 =	simm.s32 $_size__tile_overlayer_lowered;
	s6 =	simm.s32 $_tile_overlayer_lowered  }
0x13: {  	s23 =	simm.s32 $0x1BFF;
	s22 =	sshll.u32 s6, $0x1;
	s3 =	sadd.s32 s4, s20  }
0x14: {  	s7 =	simm.s32 $0x0;
	s21 =	sshll.u32 s5, $0x1;
	s5 =	sadd.s32 s22, s3  }
0x15: {  	[timem:s7], [sflag:s23] =	dma.local [hbm:s5], s21  }
0x16: {  	_ =	swait.ge [sflag:s23], s21  }
0x17: {  	s4 =	ssub.s32 $0x0, s21;
	[sflag:s23] =	ssyncset.done $0x0  }
0x18: {  	[sflag:s23] =	ssyncadd.s32 s4;
	_ =	sdelay $0x1  }
0x19: {  	s24 =	simm.s32 $0x1B8B  }
0x1a: {  	_ =	swait.ge [sflag:s24], $0x1  }
0x1b: {  	[sflag:s24] =	ssyncset.done $0x0  }
0x1c: {  	s26 =	simm.s32 $0x1B8E;
	s25 =	sld [smem:$0x3FFE];
	[sflag:s24] =	ssyncadd.s32 $0xFFFFFFFF  }
0x1d: {  	s27 =	simm.s32 $execute0_lowered;
	[smem:$0x3FD2] =	sst s26  }
0x1e: {  	s5 =	sshll.u32 s27, $0x1;
	_ =	strace $0x80000046;
	[dreg:$0x1] =	wrdreg $0xFFFFFFFF  }
0x1f: {  	s28 =	simm.s32 $_size_execute0_lowered;
	s3 =	sadd.s32 s3, s5;
	[dreg:$0x0] =	wrdreg $0x0  }
0x20: {  	s5 =	sshll.u32 s28, $0x1;
	[dreg:$0x2] =	wrdreg s3  }
0x21: {  	[dreg:$0x3] =	wrdreg s5  }
0x22: {  	[dreg:$0x4] =	wrdreg $0xC0  }
0x23: {  	_ =	task [dreg:s7], $0x5FFFF  }
0x24: {  	[dreg:$0x1] =	wrdreg $0xFFFFFFFF  }
0x25: {  	[dreg:$0x0] =	wrdreg $0x60  }
0x26: {  	[dreg:$0x2] =	wrdreg s2  }
0x27: {  	[dreg:$0x3] =	wrdreg s25  }
0x28: {  	[dreg:$0x4] =	wrdreg $0x9  }
0x29: {  	_ =	task.clear_ibuf [dreg:s7], $0x5FFFF;
	_ =	strace $0x90000046  }
0x2a: {  	s29 =	simm.s32 $0x9;
	_ =	strace $0x80000048  }
0x2b: {  	_ =	swait.ge [sflag:s29], $0x1  }
0x2c: {  	[sflag:s29] =	ssyncadd.s32 $0xFFFFFFFF  }
0x2d: {  	_ =	strace $0x90000048  }
0x2e: {  	_ =	sfence  }
0x2f: {  	s30 =	sld [smem:$0x0];
	_ =	sdelay $0x2  }
0x30: {  	s31 =	sshll.u32 s1, $0xD;
	s1 =	sshrl.u32 s1, $0x2  }
0x31: {  	s3 =	sand.u32 $0x4000, s31;
	s1 =	sadd.s32 s1, s30  }
0x32: {  	s0 =	sor.u32 s3, s0;
	s1 =	sshll.u32 s1, $0x11  }
0x33: {  	s0 =	sor.u32 s1, s0  }
0x34: {  	s0 =	sadd.s32 $0x8F2B, s0  }
0x35: {  	[sflag:s0] =	ssyncadd.remote.s32 $0x1  }
0x36: {  	_ =	sfence.sel $0xFFFF  }
0x37: {  	[dreg:$0x0] =	wrdreg $0xFFFFFFFF;
	(pc) =	sbr.abs _section_cstart, $3  }
0x38: {  	[dreg:$0x1] =	wrdreg $0xFFFFFFFF  }
0x39: {  	_ =	task.clear_ibuf [dreg:s7], $0x2FFFF;
	_ =	strace $0x9FFFFFFF  }
0x3a: {  	(tm) =	ssettm $0x7FFFFFFF  }
0x3b: {  	_ =	shalt  }
tec
execute0_lowered:
.L_overlay_start_1:
0x0: {  	(tag) =	ssettag $0x1  }
0x1: {  	s0 =	srdreg.scid  }
0x2: {  	s1 =	sshll.u32 s0, $0x4  }
0x3: {  	s2 =	rddreg [dreg:$0x0];
	s0 =	stileid.u32;
	s1 =	sand.u32 $0x10, s1  }
0x4: {  	s4 =	rddreg [dreg:$0x1];
	s7 =	simm.s32 $0x1;
	s1 =	sor.u32 s0, s1  }
0x5: {  	s8 =	simm.s32 $0x2;
	s9 =	simm.s32 $0x0;
	s3 =	sshll.u32 s1, $0x1  }
0x6: {  	s12 =	simm.s32 $0x0;
	s11 =	simm.s32 $0x0;
	s6 =	ssub.s32 $0x400, s3  }
.Ltmp0:
0x7: {  	s4 =	sadd.s32 $0xC00, s4;
	s5 =	sand.u32 $0x3E, s6;
	(pc) =	sbr.rel .LBB1_1-.Ltmp0, $4  }
0x8: {  	s1 =	rddreg [dreg:$0x2];
	_ =	strace $0x80000047;
	p0 =	sne.s32 s5, $0x0  }
0x9: {  	s6 =	sshrl.u32 s6, $0x6;
	s5 =	simm.s32 $0x1;
	s7 =	simm.s32 @!p0 $0x0  }
0xa: {  	s10 =	smov.u32 s3;
	[sflag:s5] =	ssyncpa.u1 $0x0;
	s6 =	sadd.s32 s7, s6  }
0xb: {  	[sflag:s8] =	ssyncpa.u1 $0x0;
	s8 =	simm.s32 $0x0;
	s7 =	sadd.s32 $0x1, s6  }
.LBB1_9:
0xc: {  	s14 =	sadd.s32 $0x40, s10  }
0xd: {  	p1 =	sgt.s32 s14, $0x3FF  }
0xe: {  	s14 =	smov.u32 @p1 s3;
	p1 =	sne.s32 s11, s7  }
.Ltmp1:
0xf: {  	p0 =	slt.u32 s11, $0x2;
	(pc) =	sbr.rel @!p1 .LBB1_10-.Ltmp1, $4  }
0x10: {  	s13 =	simm.s32 @!p0 $0x2  }
0x11: {  	s15 =	sadd.s32 $0x1, s11;
	_ =	swait.ge @!p0 [sflag:s13], $0x4000  }
0x12: {  	s12 =	smov.u32 s10;
	s9 =	sadd.s32 $0x4000, s9;
	[sflag:s13] =	ssyncset.done @!p0 $0x0  }
0x13: {  	s11 =	smov.u32 s15;
	s10 =	smov.u32 s14;
	[sflag:s13] =	ssyncadd.s32 @!p0 $0xFFFFC000  }
.LBB1_1:
0x14: {  	p0 =	sge.u32 s11, s6  }
0x15: {  	s13 =	sxor.u32 @!p0 $0xFFFFFFFF, s11  }
0x16: {  	s31 =	sadd.s32 $0xFFFFFFFF, s11;
	s14 =	sshll.u32 @!p0 s10, $0xA;
	s13 =	sshll.u32 @!p0 s13, $0xE  }
0x17: {  	s15 =	simm.s32 @!p0 $0x0;
	s14 =	sadd.s32 @!p0 s2, s14;
	s13 =	sand.u32 @!p0 $0x4000, s13  }
0x18: {  	[tilespmem:s13], [sflag:$0x1] =	stream.linear.gather @!p0 [hbm4b:s14+s15], $0x4000, $0x38;
	[tilespmem:$0x10000] =	vst v63  }
0x19: {  	p0 =	sge.u32 s31, s6  }
.Ltmp2:
0x1a: {  	_ = 	snop;
	(pc) =	sbr.rel @p0 .LBB1_9-.Ltmp2, $1  }
0x1b: {  	_ =	sdelay $0x3  }
0x1c: {  	s13 =	sshll.u32 s9, $0x2  }
0x1d: {  	_ =	swait.ge [sflag:s5], $0x4000;
	s14 =	sshll.u32 s11, $0xE;
	s16 =	simm.s32 $0x0  }
0x1e: {  	p1 =	por $0x1, $0x1;
	s13 =	sand.u32 $0x10000, s13;
	[sflag:s5] =	ssyncset.done $0x0  }
0x1f: {  	s14 =	sand.u32 $0x4000, s14;
	s15 =	sshrl.u32 s13, $0x2;
	[sflag:s5] =	ssyncadd.s32 $0xFFFFC000  }
0x20: {  	s13 =	sor.u32 $0x8000, s14;
	s14 =	sadd.s32 $0x8040, s15;
	s15 =	sadd.s32 $0x40, s15  }
.LBB1_3:
0x21: {  	s16 =	sshll.u32 s16, $0x2  }
0x22: {  	p0 =	por p1, p1;
	s17 =	sshra.s32 s16, $0x2  }
0x23: {  	s18 =	simm.s32 $0x0;
	s16 =	sadd.s32 s17, s14;
	s17 =	sadd.s32 s17, s15  }
.LBB1_4:
0x24: {  	v0 =	vmov s17;
	_ =	sdelay $0x3  }
0x25: {  	s20 =	simm.s32 $0x0  }
0x26: {  	v6 =	vld.idx.msk [tilespmem:v0+s20+$0x30 ss:$0x1], $0xffff  }
0x27: {  	v7 =	vld.idx.msk [tilespmem:v0+s20+$0xFFFFFFC0 ss:$0x1], $0xffff  }
0x28: {  	v5 =	vld.idx.msk [tilespmem:v0+s20+$0xFFFFFFD0 ss:$0x1], $0xffff  }
0x29: {  	v4 =	vld.idx.msk [tilespmem:v0+s20+$0xFFFFFFE0 ss:$0x1], $0xffff  }
0x2a: {  	v3 =	vld.idx.msk [tilespmem:v0+s20+$0xFFFFFFF0 ss:$0x1], $0xffff  }
0x2b: {  	v1 =	vld.idx.msk [tilespmem:v0+s20+$0x0 ss:$0x1], $0xffff  }
0x2c: {  	v2 =	vld.idx.msk [tilespmem:v0+s20+$0x10 ss:$0x1], $0xffff;
	[tilespmem:s16+$0x30] =	vst v6  }
0x2d: {  	s19 =	simm.s32 $0x80;
	s21 =	simm.s32 $0x400;
	[tilespmem:s16+$0xFFFFFFC0] =	vst v7;
	v6 =	vld.idx.msk [tilespmem:v0+s20+$0x20 ss:$0x1], $0xffff;
	s20 =	smov.u32 s16  }
.LBB1_5:
0x2e: {  	p1 =	sne.s32 s21, $0xE00;
	v7 =	vld.idx.msk [tilespmem:v0+s19+$0x30 ss:$0x1], $0xffff;
	[tilespmem:s20+$0xFFFFFFD0] =	vst v5  }
0x2f: {  	v8 =	vld.idx.msk [tilespmem:v0+s19+$0xFFFFFFC0 ss:$0x1], $0xffff;
	[tilespmem:s20+$0xFFFFFFE0] =	vst v4  }
0x30: {  	v5 =	vld.idx.msk [tilespmem:v0+s19+$0xFFFFFFD0 ss:$0x1], $0xffff;
	[tilespmem:s20+$0xFFFFFFF0] =	vst v3  }
.Ltmp3:
0x31: {  	v4 =	vld.idx.msk [tilespmem:v0+s19+$0xFFFFFFE0 ss:$0x1], $0xffff;
	[tilespmem:s20+$0x0] =	vst v1;
	(pc) =	sbr.rel @p1 .LBB1_5-.Ltmp3, $4  }
0x32: {  	v3 =	vld.idx.msk [tilespmem:v0+s19+$0xFFFFFFF0 ss:$0x1], $0xffff;
	[tilespmem:s20+$0x10] =	vst v2  }
0x33: {  	v1 =	vld.idx.msk [tilespmem:v0+s19+$0x0 ss:$0x1], $0xffff;
	[tilespmem:s20+$0x20] =	vst v6;
	s20 =	sadd.s32 $0x400, s20  }
0x34: {  	v2 =	vld.idx.msk [tilespmem:v0+s19+$0x10 ss:$0x1], $0xffff;
	[tilespmem:s20+$0x30] =	vst v7  }
0x35: {  	[tilespmem:s20+$0xFFFFFFC0] =	vst v8;
	v6 =	vld.idx.msk [tilespmem:v0+s19+$0x20 ss:$0x1], $0xffff;
	s19 =	sshra.s32 s21, $0x2;
	s21 =	sadd.s32 $0x200, s21  }
0x36: {  	_ =	sdelay $0x2  }
0x37: {  	[tilespmem:s20+$0xFFFFFFD0] =	vst v5  }
0x38: {  	v56 =	vld.idx.msk [tilespmem:v0+s19+$0x30 ss:$0x1], $0xffff;
	[tilespmem:s20+$0xFFFFFFE0] =	vst v4  }
0x39: {  	v57 =	vld.idx.msk [tilespmem:v0+s19+$0xFFFFFFC0 ss:$0x1], $0xffff;
	[tilespmem:s20+$0xFFFFFFF0] =	vst v3  }
0x3a: {  	v58 =	vld.idx.msk [tilespmem:v0+s19+$0xFFFFFFD0 ss:$0x1], $0xffff;
	[tilespmem:s20+$0x0] =	vst v1  }
0x3b: {  	v59 =	vld.idx.msk [tilespmem:v0+s19+$0xFFFFFFE0 ss:$0x1], $0xffff;
	[tilespmem:s20+$0x10] =	vst v2  }
0x3c: {  	v60 =	vld.idx.msk [tilespmem:v0+s19+$0xFFFFFFF0 ss:$0x1], $0xffff;
	s31 =	sadd.s32 $0x400, s20;
	[tilespmem:s20+$0x20] =	vst v6  }
0x3d: {  	v61 =	vld.idx.msk [tilespmem:v0+s19+$0x0 ss:$0x1], $0xffff;
	[tilespmem:s31+$0x30] =	vst v56  }
0x3e: {  	v62 =	vld.idx.msk [tilespmem:v0+s19+$0x10 ss:$0x1], $0xffff;
	s18 =	sadd.s32 $0x1, s18;
	[tilespmem:s31+$0xFFFFFFC0] =	vst v57  }
0x3f: {  	v63 =	vld.idx.msk [tilespmem:v0+s19+$0x20 ss:$0x1], $0xffff;
	p1 =	sne.s32 s18, $0x8;
	[tilespmem:s31+$0xFFFFFFD0] =	vst v58  }
.Ltmp4:
0x40: {  	[tilespmem:s31+$0xFFFFFFE0] =	vst v59;
	(pc) =	sbr.rel @p1 .LBB1_4-.Ltmp4, $4  }
0x41: {  	[tilespmem:s31+$0xFFFFFFF0] =	vst v60  }
0x42: {  	[tilespmem:s31+$0x0] =	vst v61  }
0x43: {  	[tilespmem:s31+$0x10] =	vst v62  }
0x44: {  	s16 =	sadd.s32 $0x80, s16;
	s17 =	sadd.s32 $0x400, s17;
	[tilespmem:s31+$0x20] =	vst v63  }
.Ltmp5:
0x45: {  	(pc) =	sbr.rel @p0 .LBB1_3-.Ltmp5, $2  }
0x46: {  	_ =	sdelay $0x2  }
0x47: {  	s16 =	simm.s32 $0x2000;
	p1 =	por $0x0, $0x0  }
.Ltmp6:
0x48: {  	(pc) =	sbr.rel .LBB1_9-.Ltmp6, $4  }
0x49: {  	_ = 	snop  }
0x4a: {  	s12 =	sshll.u32 s12, $0xA  }
0x4b: {  	s12 =	sadd.s32 s4, s12  }
0x4c: {  	[hbm4b:s12+s8] =	stream.linear.scatter [tilespmem:s13], [sflag:$0x2], $0x4000, $0x38;
	[tilespmem:$0x10000] =	vst v63  }
.LBB1_10:
0x4d: {  	_ =	sfence.sel $0x180000  }
0x4e: {  	s2 =	simm.s32 $0x1;
	[bflag:$0x0] =	sbarrier.arrive $0xFFFF  }
0x4f: {  	s31 =	simm.s32 $0x2;
	[sflag:s2] =	ssyncpa.u1 $0x1  }
0x50: {  	[sflag:s31] =	ssyncpa.u1 $0x1  }
0x51: {  	p0 =	sne.s32 s0, $0x0;
	_ =	strace $0x90000047  }
0x52: {  	s0 =	sadd.s32 @!p0 $0x100000, s1;
	[bflag:$0x2] =	sbarrier.arrive $0xFFFF  }
0x53: {  	[sflag:s0] =	ssyncadd.tile.s32 @!p0 $0x1;
	_ =	shalt  }
.Lfunc_end1:
_tile_overlayer_lowered:
.L_overlay_start_2:
0x54: {  	(tag) =	ssettag $0x2  }
0x55: {  	s0 =	rddreg [dreg:$0x0];
	s2 =	stileid.u32  }
0x56: {  	s1 =	rddreg [dreg:$0x1];
	p0 =	sne.s32 s2, $0x0  }
0x57: {  	s3 =	rddreg [dreg:$0x2];
	[bflag:$0x3] =	sbarrier.arrive $0xFFFF;
	s2 =	simm.s32 @!p0 $0x1C01  }
0x58: {  	[timem:s3], [sflag:s2] =	dma.local @!p0 [hbm:s0], s1  }
0x59: {  	s0 =	simm.s32 @!p0 $0x1  }
0x5a: {  	_ =	swait.ge @!p0 [sflag:s0], s1  }
0x5b: {  	s1 =	ssub.s32 @!p0 $0x0, s1;
	[sflag:s0] =	ssyncset.done @!p0 $0x0  }
0x5c: {  	[sflag:s0] =	ssyncadd.s32 @!p0 s1  }
0x5d: {  	[bflag:$0x3] =	sbarrier.arrive $0xFFFF  }
0x5e: {  	_ =	shalt  }

</sc_bundles>
